<compile_context>
chip_gen: v7x
topology: tpu7x:2x2x1
jax: 0.10.2.dev20260603
libtpu: 0.0.44.dev20260713+nightly
codegen_flags: <defaults>
</compile_context>

<pallas_src>
import functools

import jax
import jax.numpy as jnp
from jax import lax
from jax.experimental import pallas as pl
from jax.experimental.pallas import tpu as pltpu
from jax.experimental.pallas import tpu_sc as plsc

N_BUSES = 10000
N_LINES = 160000
N_BATCH = 64
LANES = 16
CHUNK = 8000
N_CHUNKS = N_LINES // CHUNK
ROWS_PER_TILE = 2
UNROLL = 4
IDX_BITS = 14
IDX_MASK = (1 << IDX_BITS) - 1


def _sc_kernel(angles_hbm, pk_hbm, rl_hbm, ir_hbm,
               ang2_out, flows_out,
               ang_a, ang_b, ang2_a, ang2_b,
               pk0, r0, pk1, r1,
               fba0, fbb0, fba1, fbb1,
               sin0, sin1, sout0, sout1, sang):
    c = lax.axis_index("c")
    s = lax.axis_index("s")
    wid = s * 2 + c
    row_a = wid * ROWS_PER_TILE
    row_b = row_a + 1

    IN = ((pk0, r0, sin0), (pk1, r1, sin1))
    OUT = ((fba0, fbb0, sout0), (fba1, fbb1, sout1))

    def start_in(b, base, r_hbm):
        pkb, rb, sem = IN[b]
        pltpu.async_copy(pk_hbm.at[pl.ds(base, CHUNK)], pkb, sem)
        pltpu.async_copy(r_hbm.at[pl.ds(base, CHUNK)], rb, sem)

    def wait_in(b):
        pkb, rb, sem = IN[b]
        pltpu.make_async_copy(pk_hbm.at[pl.ds(0, CHUNK)], pkb, sem).wait()
        pltpu.make_async_copy(rl_hbm.at[pl.ds(0, CHUNK)], rb, sem).wait()

    def start_out(b, base):
        fba, fbb, sem = OUT[b]
        pltpu.async_copy(
            fba, flows_out.at[pl.ds(row_a * N_LINES + base, CHUNK)], sem)
        pltpu.async_copy(
            fbb, flows_out.at[pl.ds(row_b * N_LINES + base, CHUNK)], sem)

    def wait_out(b):
        fba, fbb, sem = OUT[b]
        pltpu.make_async_copy(fba, flows_out.at[pl.ds(0, CHUNK)], sem).wait()
        pltpu.make_async_copy(fbb, flows_out.at[pl.ds(0, CHUNK)], sem).wait()

    start_in(0, 0, rl_hbm)
    for dst in (ang_a, ang2_a):
        pltpu.async_copy(
            angles_hbm.at[pl.ds(row_a * N_BUSES, N_BUSES)], dst, sout0)
    for dst in (ang_b, ang2_b):
        pltpu.async_copy(
            angles_hbm.at[pl.ds(row_b * N_BUSES, N_BUSES)], dst, sout0)
    for dst in (ang_a, ang2_a, ang_b, ang2_b):
        pltpu.make_async_copy(
            angles_hbm.at[pl.ds(0, N_BUSES)], dst, sout0).wait()

    @pl.loop(0, N_CHUNKS, step=2)
    def phase1(ci):
        for b in range(2):
            cur = ci + b
            wait_in(b)

            @pl.when(cur + 1 < N_CHUNKS)
            def _():
                start_in(1 - b, (cur + 1) * CHUNK, rl_hbm)

            @pl.when(cur + 1 == N_CHUNKS)
            def _():
                start_in(1 - b, 0, ir_hbm)

            pkb, rb, _sem = IN[b]

            @plsc.parallel_loop(0, CHUNK, LANES, unroll=UNROLL)
            def vec1(o):
                pk = pkb[pl.ds(o, LANES)]
                fidx = pk & IDX_MASK
                tidx = lax.shift_right_arithmetic(pk, IDX_BITS)
                rl = rb[pl.ds(o, LANES)]
                for ang, ang2 in ((ang_a, ang2_a), (ang_b, ang2_b)):
                    fa = plsc.load_gather(ang, [fidx])
                    ta = plsc.load_gather(ang, [tidx])
                    d = fa - ta
                    over = jnp.abs(d) > rl
                    adj = (jnp.sign(d) * rl - d) * 0.5
                    plsc.addupdate_scatter(ang2, [fidx], adj, mask=over)
                    plsc.addupdate_scatter(ang2, [tidx], adj, mask=over)

    pltpu.async_copy(ang2_a, ang2_out.at[pl.ds(row_a * N_BUSES, N_BUSES)], sang)
    pltpu.async_copy(ang2_b, ang2_out.at[pl.ds(row_b * N_BUSES, N_BUSES)], sang)

    @pl.loop(0, N_CHUNKS, step=2)
    def phase2(ci):
        for b in range(2):
            cur = ci + b
            wait_in(b)

            @pl.when(cur + 1 < N_CHUNKS)
            def _():
                start_in(1 - b, (cur + 1) * CHUNK, ir_hbm)

            @pl.when(cur >= 2)
            def _():
                wait_out(b)

            pkb, rb, _sem = IN[b]
            fba, fbb, _osem = OUT[b]

            @plsc.parallel_loop(0, CHUNK, LANES, unroll=UNROLL)
            def vec2(o):
                pk = pkb[pl.ds(o, LANES)]
                fidx = pk & IDX_MASK
                tidx = lax.shift_right_arithmetic(pk, IDX_BITS)
                ir = rb[pl.ds(o, LANES)]
                for ang2, fbuf in ((ang2_a, fba), (ang2_b, fbb)):
                    fa = plsc.load_gather(ang2, [fidx])
                    ta = plsc.load_gather(ang2, [tidx])
                    fbuf[pl.ds(o, LANES)] = (fa - ta) * ir

            start_out(b, cur * CHUNK)

    wait_out(0)
    wait_out(1)
    pltpu.make_async_copy(
        ang2_a, ang2_out.at[pl.ds(0, N_BUSES)], sang).wait()
    pltpu.make_async_copy(
        ang2_b, ang2_out.at[pl.ds(0, N_BUSES)], sang).wait()


@jax.jit
def _run(angles, packed_idx, rl, inv_r):
    mesh = plsc.VectorSubcoreMesh(core_axis_name="c", subcore_axis_name="s")
    f = functools.partial(
        pl.kernel,
        mesh=mesh,
        compiler_params=pltpu.CompilerParams(needs_layout_passes=False),
        out_type=[
            jax.ShapeDtypeStruct((N_BATCH * N_BUSES,), jnp.float32),
            jax.ShapeDtypeStruct((N_BATCH * N_LINES,), jnp.float32),
        ],
        scratch_types=[
            pltpu.VMEM((N_BUSES,), jnp.float32),
            pltpu.VMEM((N_BUSES,), jnp.float32),
            pltpu.VMEM((N_BUSES,), jnp.float32),
            pltpu.VMEM((N_BUSES,), jnp.float32),
            pltpu.VMEM((CHUNK,), jnp.int32),
            pltpu.VMEM((CHUNK,), jnp.float32),
            pltpu.VMEM((CHUNK,), jnp.int32),
            pltpu.VMEM((CHUNK,), jnp.float32),
            pltpu.VMEM((CHUNK,), jnp.float32),
            pltpu.VMEM((CHUNK,), jnp.float32),
            pltpu.VMEM((CHUNK,), jnp.float32),
            pltpu.VMEM((CHUNK,), jnp.float32),
            pltpu.SemaphoreType.DMA,
            pltpu.SemaphoreType.DMA,
            pltpu.SemaphoreType.DMA,
            pltpu.SemaphoreType.DMA,
            pltpu.SemaphoreType.DMA,
        ],
    )(_sc_kernel)
    return f(angles, packed_idx, rl, inv_r)


def kernel(x, from_indices, to_indices, reactances, limits):
    angles = x[:, N_BUSES:2 * N_BUSES].reshape(-1)
    fi = from_indices.astype(jnp.int32)
    ti = to_indices.astype(jnp.int32)
    packed_idx = fi | (ti << IDX_BITS)
    angles2, flows2 = _run(
        angles,
        packed_idx,
        reactances * limits,
        1.0 / reactances,
    )
    angles2 = angles2.reshape(N_BATCH, N_BUSES)
    flows2 = flows2.reshape(N_BATCH, N_LINES)
    out = jnp.concatenate(
        [x[:, :N_BUSES], angles2, x[:, 2 * N_BUSES:]], axis=1)
    return (out, flows2)

# --- scband reference (transcript-rebuilt; emitter-appended) ---
"""Pipeline reference for scband-line-flow-layer-49675591745745 (READ-ONLY COPY).

The authoritative reference and input builder live on the scoring server;
editing this copy changes nothing except your own understanding.
"""

import jax, jax.numpy as jnp
import numpy as np

NUM_BUSES = 10000
NUM_LINES = 160000
BATCH = 64
EXTRA = 100


def setup_inputs(seed: int = 0) -> dict:
    key = jax.random.key(seed)
    k1, k2, k3, k4, k5 = jax.random.split(key, 5)
    x = jax.random.normal(k1, (BATCH, 2 * NUM_BUSES + EXTRA), dtype=jnp.float32)
    from_indices = jax.random.randint(k2, (NUM_LINES,), 0, NUM_BUSES)
    to_indices = jax.random.randint(k3, (NUM_LINES,), 0, NUM_BUSES)
    # reactances kept strictly positive and away from zero (division)
    reactances = jax.random.uniform(k4, (NUM_LINES,), minval=0.01, maxval=0.5, dtype=jnp.float32)
    limits = jax.random.uniform(k5, (NUM_LINES,), minval=0.5, maxval=2.0, dtype=jnp.float32)
    return {"x": x, "from_indices": from_indices, "to_indices": to_indices, "reactances": reactances, "limits": limits}


def reference(x, from_indices, to_indices, reactances, limits):
    voltages = x[:, :NUM_BUSES]
    angles = x[:, NUM_BUSES:2 * NUM_BUSES]
    other_params = x[:, 2 * NUM_BUSES:]
    # gather angles at line endpoints
    from_angles = jnp.take(angles, from_indices, axis=1)
    to_angles = jnp.take(angles, to_indices, axis=1)
    angle_diffs = from_angles - to_angles
    flows = angle_diffs / reactances[None, :]
    flow_ratios = flows / limits[None, :]
    over_limit_mask = jnp.abs(flow_ratios) > 1.0
    # Branch in torch is a no-op when mask is all-False (adjustments == 0),
    # so executing it unconditionally is mathematically identical.
    required_angles = jnp.sign(angle_diffs) * reactances[None, :] * limits[None, :]
    adjusted_diffs = jnp.where(over_limit_mask, required_angles, angle_diffs)
    adjustments = adjusted_diffs - angle_diffs
    # scatter-add per line into per-bus adjustment accumulators
    from_adjustments = jnp.zeros_like(angles).at[:, from_indices].add(adjustments / 2)
    to_adjustments = jnp.zeros_like(angles).at[:, to_indices].add(-(adjustments / 2))
    angles2 = angles + from_adjustments - to_adjustments
    from_angles2 = jnp.take(angles2, from_indices, axis=1)
    to_angles2 = jnp.take(angles2, to_indices, axis=1)
    angle_diffs2 = from_angles2 - to_angles2
    flows2 = angle_diffs2 / reactances[None, :]
    out = jnp.concatenate([voltages, angles2, other_params], axis=1)
    return (out, flows2)

if __name__ == "__main__":
    import jax
    _d = setup_inputs()
    print(jax.jit(kernel)(*tuple(_d.values())))

</pallas_src>

<mosaic_0001>
#map = affine_map<(d0, d1) -> (0)>
module attributes {stable_mosaic.version = 14 : i64} {
  func.func @_sc_kernel(%arg0: i32, %arg1: i32, %arg2: memref<640000xf32, #tpu.memory_space<hbm>>, %arg3: memref<160000xi32, #tpu.memory_space<hbm>>, %arg4: memref<160000xf32, #tpu.memory_space<hbm>>, %arg5: memref<160000xf32, #tpu.memory_space<hbm>>, %arg6: memref<640000xf32, #tpu.memory_space<hbm>>, %arg7: memref<10240000xf32, #tpu.memory_space<hbm>>, %arg8: memref<10000xf32, #tpu.memory_space<vmem>>, %arg9: memref<10000xf32, #tpu.memory_space<vmem>>, %arg10: memref<10000xf32, #tpu.memory_space<vmem>>, %arg11: memref<10000xf32, #tpu.memory_space<vmem>>, %arg12: memref<8000xi32, #tpu.memory_space<vmem>>, %arg13: memref<8000xf32, #tpu.memory_space<vmem>>, %arg14: memref<8000xi32, #tpu.memory_space<vmem>>, %arg15: memref<8000xf32, #tpu.memory_space<vmem>>, %arg16: memref<8000xf32, #tpu.memory_space<vmem>>, %arg17: memref<8000xf32, #tpu.memory_space<vmem>>, %arg18: memref<8000xf32, #tpu.memory_space<vmem>>, %arg19: memref<8000xf32, #tpu.memory_space<vmem>>, %arg20: memref<!tpu.dma_semaphore, #tpu.memory_space<semaphore_mem>>, %arg21: memref<!tpu.dma_semaphore, #tpu.memory_space<semaphore_mem>>, %arg22: memref<!tpu.dma_semaphore, #tpu.memory_space<semaphore_mem>>, %arg23: memref<!tpu.dma_semaphore, #tpu.memory_space<semaphore_mem>>, %arg24: memref<!tpu.dma_semaphore, #tpu.memory_space<semaphore_mem>>) attributes {dimension_semantics = [#tpu.dimension_semantics<core_parallel>, #tpu.dimension_semantics<subcore_parallel>], iteration_bounds = array<i64: 2, 16>, scalar_prefetch = 0 : i64, scratch_operands = 17 : i64, tpu.core_type = #tpu.core_type<sc_vector_subcore>, window_params = [{transform_indices = #map}, {transform_indices = #map}, {transform_indices = #map}, {transform_indices = #map}, {transform_indices = #map}, {transform_indices = #map}]} {
    %mul3A = arith.constant 2 : i32
    %mul3A_0 = arith.muli %arg1, %mul3A : i32
    %add3A = arith.addi %mul3A_0, %arg0 : i32
    %mul3A_1 = arith.constant 2 : i32
    %mul3A_2 = arith.muli %add3A, %mul3A_1 : i32
    %add3A_3 = arith.constant 1 : i32
    %add3A_4 = arith.addi %mul3A_2, %add3A_3 : i32
    %dma_start3A = arith.constant 0 : i32
    %dma_start3A_5 = tpu.memref_slice %arg3[%dma_start3A] : memref<160000xi32, #tpu.memory_space<hbm>> -> memref<8000xi32, #tpu.memory_space<hbm>>
    %dma_start3A_6 = arith.constant 0 : i32
    %dma_start3A_7 = tpu.memref_slice %arg3[%dma_start3A_6] : memref<160000xi32, #tpu.memory_space<hbm>> -> memref<8000xi32, #tpu.memory_space<hbm>>
    tpu.enqueue_dma source(%dma_start3A_7 : memref<8000xi32, #tpu.memory_space<hbm>>) target(%arg12 : memref<8000xi32, #tpu.memory_space<vmem>>) target_semaphore(%arg20 : memref<!tpu.dma_semaphore, #tpu.memory_space<semaphore_mem>>)
    %dma_start3A_8 = arith.constant 0 : i32
    %dma_start3A_9 = tpu.memref_slice %arg4[%dma_start3A_8] : memref<160000xf32, #tpu.memory_space<hbm>> -> memref<8000xf32, #tpu.memory_space<hbm>>
    %dma_start3A_10 = arith.constant 0 : i32
    %dma_start3A_11 = tpu.memref_slice %arg4[%dma_start3A_10] : memref<160000xf32, #tpu.memory_space<hbm>> -> memref<8000xf32, #tpu.memory_space<hbm>>
    tpu.enqueue_dma source(%dma_start3A_11 : memref<8000xf32, #tpu.memory_space<hbm>>) target(%arg13 : memref<8000xf32, #tpu.memory_space<vmem>>) target_semaphore(%arg20 : memref<!tpu.dma_semaphore, #tpu.memory_space<semaphore_mem>>)
    %mul3A_12 = arith.constant 10000 : i32
    %mul3A_13 = arith.muli %mul3A_2, %mul3A_12 : i32
    %dma_start3A_14 = tpu.memref_slice %arg2[%mul3A_13] : memref<640000xf32, #tpu.memory_space<hbm>> -> memref<10000xf32, #tpu.memory_space<hbm>>
    %dma_start3A_15 = tpu.memref_slice %arg2[%mul3A_13] : memref<640000xf32, #tpu.memory_space<hbm>> -> memref<10000xf32, #tpu.memory_space<hbm>>
    tpu.enqueue_dma source(%dma_start3A_15 : memref<10000xf32, #tpu.memory_space<hbm>>) target(%arg8 : memref<10000xf32, #tpu.memory_space<vmem>>) target_semaphore(%arg22 : memref<!tpu.dma_semaphore, #tpu.memory_space<semaphore_mem>>)
    %mul3A_16 = arith.constant 10000 : i32
    %mul3A_17 = arith.muli %mul3A_2, %mul3A_16 : i32
    %dma_start3A_18 = tpu.memref_slice %arg2[%mul3A_17] : memref<640000xf32, #tpu.memory_space<hbm>> -> memref<10000xf32, #tpu.memory_space<hbm>>
    %dma_start3A_19 = tpu.memref_slice %arg2[%mul3A_17] : memref<640000xf32, #tpu.memory_space<hbm>> -> memref<10000xf32, #tpu.memory_space<hbm>>
    tpu.enqueue_dma source(%dma_start3A_19 : memref<10000xf32, #tpu.memory_space<hbm>>) target(%arg10 : memref<10000xf32, #tpu.memory_space<vmem>>) target_semaphore(%arg22 : memref<!tpu.dma_semaphore, #tpu.memory_space<semaphore_mem>>)
    %mul3A_20 = arith.constant 10000 : i32
    %mul3A_21 = arith.muli %add3A_4, %mul3A_20 : i32
    %dma_start3A_22 = tpu.memref_slice %arg2[%mul3A_21] : memref<640000xf32, #tpu.memory_space<hbm>> -> memref<10000xf32, #tpu.memory_space<hbm>>
    %dma_start3A_23 = tpu.memref_slice %arg2[%mul3A_21] : memref<640000xf32, #tpu.memory_space<hbm>> -> memref<10000xf32, #tpu.memory_space<hbm>>
    tpu.enqueue_dma source(%dma_start3A_23 : memref<10000xf32, #tpu.memory_space<hbm>>) target(%arg9 : memref<10000xf32, #tpu.memory_space<vmem>>) target_semaphore(%arg22 : memref<!tpu.dma_semaphore, #tpu.memory_space<semaphore_mem>>)
    %mul3A_24 = arith.constant 10000 : i32
    %mul3A_25 = arith.muli %add3A_4, %mul3A_24 : i32
    %dma_start3A_26 = tpu.memref_slice %arg2[%mul3A_25] : memref<640000xf32, #tpu.memory_space<hbm>> -> memref<10000xf32, #tpu.memory_space<hbm>>
    %dma_start3A_27 = tpu.memref_slice %arg2[%mul3A_25] : memref<640000xf32, #tpu.memory_space<hbm>> -> memref<10000xf32, #tpu.memory_space<hbm>>
    tpu.enqueue_dma source(%dma_start3A_27 : memref<10000xf32, #tpu.memory_space<hbm>>) target(%arg11 : memref<10000xf32, #tpu.memory_space<vmem>>) target_semaphore(%arg22 : memref<!tpu.dma_semaphore, #tpu.memory_space<semaphore_mem>>)
    %dma_wait3A = arith.constant 0 : i32
    %dma_wait3A_28 = tpu.memref_slice %arg2[%dma_wait3A] : memref<640000xf32, #tpu.memory_space<hbm>> -> memref<10000xf32, #tpu.memory_space<hbm>>
    %dma_wait3A_29 = arith.constant 0 : i32
    %dma_wait3A_30 = tpu.memref_slice %arg2[%dma_wait3A_29] : memref<640000xf32, #tpu.memory_space<hbm>> -> memref<10000xf32, #tpu.memory_space<hbm>>
    tpu.wait_dma2 semaphore(%arg22 : memref<!tpu.dma_semaphore, #tpu.memory_space<semaphore_mem>>) src(%dma_wait3A_30 : memref<10000xf32, #tpu.memory_space<hbm>>) dst(%arg8 : memref<10000xf32, #tpu.memory_space<vmem>>)
    %dma_wait3A_31 = arith.constant 0 : i32
    %dma_wait3A_32 = tpu.memref_slice %arg2[%dma_wait3A_31] : memref<640000xf32, #tpu.memory_space<hbm>> -> memref<10000xf32, #tpu.memory_space<hbm>>
    %dma_wait3A_33 = arith.constant 0 : i32
    %dma_wait3A_34 = tpu.memref_slice %arg2[%dma_wait3A_33] : memref<640000xf32, #tpu.memory_space<hbm>> -> memref<10000xf32, #tpu.memory_space<hbm>>
    tpu.wait_dma2 semaphore(%arg22 : memref<!tpu.dma_semaphore, #tpu.memory_space<semaphore_mem>>) src(%dma_wait3A_34 : memref<10000xf32, #tpu.memory_space<hbm>>) dst(%arg10 : memref<10000xf32, #tpu.memory_space<vmem>>)
    %dma_wait3A_35 = arith.constant 0 : i32
    %dma_wait3A_36 = tpu.memref_slice %arg2[%dma_wait3A_35] : memref<640000xf32, #tpu.memory_space<hbm>> -> memref<10000xf32, #tpu.memory_space<hbm>>
    %dma_wait3A_37 = arith.constant 0 : i32
    %dma_wait3A_38 = tpu.memref_slice %arg2[%dma_wait3A_37] : memref<640000xf32, #tpu.memory_space<hbm>> -> memref<10000xf32, #tpu.memory_space<hbm>>
    tpu.wait_dma2 semaphore(%arg22 : memref<!tpu.dma_semaphore, #tpu.memory_space<semaphore_mem>>) src(%dma_wait3A_38 : memref<10000xf32, #tpu.memory_space<hbm>>) dst(%arg9 : memref<10000xf32, #tpu.memory_space<vmem>>)
    %dma_wait3A_39 = arith.constant 0 : i32
    %dma_wait3A_40 = tpu.memref_slice %arg2[%dma_wait3A_39] : memref<640000xf32, #tpu.memory_space<hbm>> -> memref<10000xf32, #tpu.memory_space<hbm>>
    %dma_wait3A_41 = arith.constant 0 : i32
    %dma_wait3A_42 = tpu.memref_slice %arg2[%dma_wait3A_41] : memref<640000xf32, #tpu.memory_space<hbm>> -> memref<10000xf32, #tpu.memory_space<hbm>>
    tpu.wait_dma2 semaphore(%arg22 : memref<!tpu.dma_semaphore, #tpu.memory_space<semaphore_mem>>) src(%dma_wait3A_42 : memref<10000xf32, #tpu.memory_space<hbm>>) dst(%arg11 : memref<10000xf32, #tpu.memory_space<vmem>>)
    %scan3A = arith.constant 0 : i32
    %scan3A_43 = arith.constant 10 : i32
    %scan3A_44 = arith.addi %scan3A, %scan3A_43 : i32
    %scan3A_45 = arith.constant 1 : i32
    scf.for %scan3A_84 = %scan3A to %scan3A_44 step %scan3A_45  : i32 {
      %mul3A_85 = arith.constant 2 : i32
      %mul3A_86 = arith.muli %scan3A_84, %mul3A_85 : i32
      %add3A_87 = arith.constant 0 : i32
      %add3A_88 = arith.addi %add3A_87, %mul3A_86 : i32
      %add3A_89 = arith.constant 0 : i32
      %add3A_90 = arith.addi %add3A_88, %add3A_89 : i32
      %dma_wait3A_91 = arith.constant 0 : i32
      %dma_wait3A_92 = tpu.memref_slice %arg3[%dma_wait3A_91] : memref<160000xi32, #tpu.memory_space<hbm>> -> memref<8000xi32, #tpu.memory_space<hbm>>
      %dma_wait3A_93 = arith.constant 0 : i32
      %dma_wait3A_94 = tpu.memref_slice %arg3[%dma_wait3A_93] : memref<160000xi32, #tpu.memory_space<hbm>> -> memref<8000xi32, #tpu.memory_space<hbm>>
      tpu.wait_dma2 semaphore(%arg20 : memref<!tpu.dma_semaphore, #tpu.memory_space<semaphore_mem>>) src(%dma_wait3A_94 : memref<8000xi32, #tpu.memory_space<hbm>>) dst(%arg12 : memref<8000xi32, #tpu.memory_space<vmem>>)
      %dma_wait3A_95 = arith.constant 0 : i32
      %dma_wait3A_96 = tpu.memref_slice %arg4[%dma_wait3A_95] : memref<160000xf32, #tpu.memory_space<hbm>> -> memref<8000xf32, #tpu.memory_space<hbm>>
      %dma_wait3A_97 = arith.constant 0 : i32
      %dma_wait3A_98 = tpu.memref_slice %arg4[%dma_wait3A_97] : memref<160000xf32, #tpu.memory_space<hbm>> -> memref<8000xf32, #tpu.memory_space<hbm>>
      tpu.wait_dma2 semaphore(%arg20 : memref<!tpu.dma_semaphore, #tpu.memory_space<semaphore_mem>>) src(%dma_wait3A_98 : memref<8000xf32, #tpu.memory_space<hbm>>) dst(%arg13 : memref<8000xf32, #tpu.memory_space<vmem>>)
      %add3A_99 = arith.constant 1 : i32
      %add3A_100 = arith.addi %add3A_90, %add3A_99 : i32
      %lt3A = arith.constant 20 : i32
      %lt3A_101 = arith.cmpi slt, %add3A_100, %lt3A : i32
      %convert_element_type3A = arith.extui %lt3A_101 : i1 to i32
      %cond3A = arith.constant 0 : i32
      %cond3A_102 = arith.cmpi ne, %convert_element_type3A, %cond3A : i32
      scf.if %cond3A_102 {
        %add3A_138 = arith.constant 1 : i32
        %add3A_139 = arith.addi %add3A_90, %add3A_138 : i32
        %mul3A_140 = arith.constant 8000 : i32
        %mul3A_141 = arith.muli %add3A_139, %mul3A_140 : i32
        %dma_start3A_142 = tpu.memref_slice %arg3[%mul3A_141] : memref<160000xi32, #tpu.memory_space<hbm>> -> memref<8000xi32, #tpu.memory_space<hbm>>
        %dma_start3A_143 = tpu.memref_slice %arg3[%mul3A_141] : memref<160000xi32, #tpu.memory_space<hbm>> -> memref<8000xi32, #tpu.memory_space<hbm>>
        tpu.enqueue_dma source(%dma_start3A_143 : memref<8000xi32, #tpu.memory_space<hbm>>) target(%arg14 : memref<8000xi32, #tpu.memory_space<vmem>>) target_semaphore(%arg21 : memref<!tpu.dma_semaphore, #tpu.memory_space<semaphore_mem>>)
        %dma_start3A_144 = tpu.memref_slice %arg4[%mul3A_141] : memref<160000xf32, #tpu.memory_space<hbm>> -> memref<8000xf32, #tpu.memory_space<hbm>>
        %dma_start3A_145 = tpu.memref_slice %arg4[%mul3A_141] : memref<160000xf32, #tpu.memory_space<hbm>> -> memref<8000xf32, #tpu.memory_space<hbm>>
        tpu.enqueue_dma source(%dma_start3A_145 : memref<8000xf32, #tpu.memory_space<hbm>>) target(%arg15 : memref<8000xf32, #tpu.memory_space<vmem>>) target_semaphore(%arg21 : memref<!tpu.dma_semaphore, #tpu.memory_space<semaphore_mem>>)
      } else {
      }
      %add3A_103 = arith.constant 1 : i32
      %add3A_104 = arith.addi %add3A_90, %add3A_103 : i32
      %eq3A = arith.constant 20 : i32
      %eq3A_105 = arith.cmpi eq, %add3A_104, %eq3A : i32
      %convert_element_type3A_106 = arith.extui %eq3A_105 : i1 to i32
      %cond3A_107 = arith.constant 0 : i32
      %cond3A_108 = arith.cmpi ne, %convert_element_type3A_106, %cond3A_107 : i32
      scf.if %cond3A_108 {
        %dma_start3A_138 = arith.constant 0 : i32
        %dma_start3A_139 = tpu.memref_slice %arg3[%dma_start3A_138] : memref<160000xi32, #tpu.memory_space<hbm>> -> memref<8000xi32, #tpu.memory_space<hbm>>
        %dma_start3A_140 = arith.constant 0 : i32
        %dma_start3A_141 = tpu.memref_slice %arg3[%dma_start3A_140] : memref<160000xi32, #tpu.memory_space<hbm>> -> memref<8000xi32, #tpu.memory_space<hbm>>
        tpu.enqueue_dma source(%dma_start3A_141 : memref<8000xi32, #tpu.memory_space<hbm>>) target(%arg14 : memref<8000xi32, #tpu.memory_space<vmem>>) target_semaphore(%arg21 : memref<!tpu.dma_semaphore, #tpu.memory_space<semaphore_mem>>)
        %dma_start3A_142 = arith.constant 0 : i32
        %dma_start3A_143 = tpu.memref_slice %arg5[%dma_start3A_142] : memref<160000xf32, #tpu.memory_space<hbm>> -> memref<8000xf32, #tpu.memory_space<hbm>>
        %dma_start3A_144 = arith.constant 0 : i32
        %dma_start3A_145 = tpu.memref_slice %arg5[%dma_start3A_144] : memref<160000xf32, #tpu.memory_space<hbm>> -> memref<8000xf32, #tpu.memory_space<hbm>>
        tpu.enqueue_dma source(%dma_start3A_145 : memref<8000xf32, #tpu.memory_space<hbm>>) target(%arg15 : memref<8000xf32, #tpu.memory_space<vmem>>) target_semaphore(%arg21 : memref<!tpu.dma_semaphore, #tpu.memory_space<semaphore_mem>>)
      } else {
      }
      %parallel_loop3A = arith.constant 0 : i32
      %parallel_loop3A_109 = arith.constant 8000 : i32
      %parallel_loop3A_110 = arith.constant 16 : i32
      scf.for %parallel_loop3A_138 = %parallel_loop3A to %parallel_loop3A_109 step %parallel_loop3A_110  : i32 {
        %parallel_loop3A_139 = arith.index_cast %parallel_loop3A_138 : i32 to index
        %parallel_loop3A_140 = tpu.vector_load %arg12[%parallel_loop3A_139] {strides = array<i32>} : memref<8000xi32, #tpu.memory_space<vmem>>, vector<16xi32>,
        %parallel_loop3A_141 = arith.constant 16383 : i32
        %parallel_loop3A_142 = vector.broadcast %parallel_loop3A_141 : i32 to vector<16xi32>
        %parallel_loop3A_143 = arith.andi %parallel_loop3A_140, %parallel_loop3A_142 : vector<16xi32>
        %parallel_loop3A_144 = arith.constant 14 : i32
        %parallel_loop3A_145 = vector.broadcast %parallel_loop3A_144 : i32 to vector<16xi32>
        %parallel_loop3A_146 = arith.shrsi %parallel_loop3A_140, %parallel_loop3A_145 : vector<16xi32>
        %parallel_loop3A_147 = arith.index_cast %parallel_loop3A_138 : i32 to index
        %parallel_loop3A_148 = tpu.vector_load %arg13[%parallel_loop3A_147] {strides = array<i32>} : memref<8000xf32, #tpu.memory_space<vmem>>, vector<16xf32>,
        %parallel_loop3A_149 = tpu.vector_load_idx %arg8[%parallel_loop3A_143] : memref<10000xf32, #tpu.memory_space<vmem>>[vector<16xi32>], vector<16xf32>,
        %parallel_loop3A_150 = tpu.vector_load_idx %arg8[%parallel_loop3A_146] : memref<10000xf32, #tpu.memory_space<vmem>>[vector<16xi32>], vector<16xf32>,
        %parallel_loop3A_151 = arith.subf %parallel_loop3A_149, %parallel_loop3A_150 : vector<16xf32>
        %parallel_loop3A_152 = math.absf %parallel_loop3A_151 : vector<16xf32>
        %parallel_loop3A_153 = arith.cmpf ogt, %parallel_loop3A_152, %parallel_loop3A_148 : vector<16xf32>
        %parallel_loop3A_154 = tpu.bitcast %parallel_loop3A_151 : vector<16xf32> -> vector<16xi32>
        %parallel_loop3A_155 = arith.constant -2147483648 : i32
        %parallel_loop3A_156 = vector.broadcast %parallel_loop3A_155 : i32 to vector<16xi32>
        %parallel_loop3A_157 = arith.andi %parallel_loop3A_154, %parallel_loop3A_156 : vector<16xi32>
        %parallel_loop3A_158 = arith.constant 1065353216 : i32
        %parallel_loop3A_159 = vector.broadcast %parallel_loop3A_158 : i32 to vector<16xi32>
        %parallel_loop3A_160 = arith.ori %parallel_loop3A_159, %parallel_loop3A_157 : vector<16xi32>
        %parallel_loop3A_161 = tpu.bitcast %parallel_loop3A_160 : vector<16xi32> -> vector<16xf32>
        %parallel_loop3A_162 = math.absf %parallel_loop3A_151 : vector<16xf32>
        %parallel_loop3A_163 = arith.constant 0.000000e+00 : f32
        %parallel_loop3A_164 = vector.broadcast %parallel_loop3A_163 : f32 to vector<16xf32>
        %parallel_loop3A_165 = arith.cmpf ogt, %parallel_loop3A_162, %parallel_loop3A_164 : vector<16xf32>
        %parallel_loop3A_166 = arith.select %parallel_loop3A_165, %parallel_loop3A_161, %parallel_loop3A_151 : vector<16xi1>, vector<16xf32>
        %parallel_loop3A_167 = arith.mulf %parallel_loop3A_166, %parallel_loop3A_148 : vector<16xf32>
        %parallel_loop3A_168 = arith.subf %parallel_loop3A_167, %parallel_loop3A_151 : vector<16xf32>
        %parallel_loop3A_169 = arith.constant 5.000000e-01 : f32
        %parallel_loop3A_170 = vector.broadcast %parallel_loop3A_169 : f32 to vector<16xf32>
        %parallel_loop3A_171 = arith.mulf %parallel_loop3A_168, %parallel_loop3A_170 : vector<16xf32>
        tpu.vector_store_idx %arg10[%parallel_loop3A_143], %parallel_loop3A_171 masked %parallel_loop3A_153 {add = true} : memref<10000xf32, #tpu.memory_space<vmem>>[vector<16xi32>], vector<16xf32>, vector<16xi1>
        tpu.vector_store_idx %arg10[%parallel_loop3A_146], %parallel_loop3A_171 masked %parallel_loop3A_153 {add = true} : memref<10000xf32, #tpu.memory_space<vmem>>[vector<16xi32>], vector<16xf32>, vector<16xi1>
        %parallel_loop3A_172 = tpu.vector_load_idx %arg9[%parallel_loop3A_143] : memref<10000xf32, #tpu.memory_space<vmem>>[vector<16xi32>], vector<16xf32>,
        %parallel_loop3A_173 = tpu.vector_load_idx %arg9[%parallel_loop3A_146] : memref<10000xf32, #tpu.memory_space<vmem>>[vector<16xi32>], vector<16xf32>,
        %parallel_loop3A_174 = arith.subf %parallel_loop3A_172, %parallel_loop3A_173 : vector<16xf32>
        %parallel_loop3A_175 = math.absf %parallel_loop3A_174 : vector<16xf32>
        %parallel_loop3A_176 = arith.cmpf ogt, %parallel_loop3A_175, %parallel_loop3A_148 : vector<16xf32>
        %parallel_loop3A_177 = tpu.bitcast %parallel_loop3A_174 : vector<16xf32> -> vector<16xi32>
        %parallel_loop3A_178 = arith.constant -2147483648 : i32
        %parallel_loop3A_179 = vector.broadcast %parallel_loop3A_178 : i32 to vector<16xi32>
        %parallel_loop3A_180 = arith.andi %parallel_loop3A_177, %parallel_loop3A_179 : vector<16xi32>
        %parallel_loop3A_181 = arith.constant 1065353216 : i32
        %parallel_loop3A_182 = vector.broadcast %parallel_loop3A_181 : i32 to vector<16xi32>
        %parallel_loop3A_183 = arith.ori %parallel_loop3A_182, %parallel_loop3A_180 : vector<16xi32>
        %parallel_loop3A_184 = tpu.bitcast %parallel_loop3A_183 : vector<16xi32> -> vector<16xf32>
        %parallel_loop3A_185 = math.absf %parallel_loop3A_174 : vector<16xf32>
        %parallel_loop3A_186 = arith.constant 0.000000e+00 : f32
        %parallel_loop3A_187 = vector.broadcast %parallel_loop3A_186 : f32 to vector<16xf32>
        %parallel_loop3A_188 = arith.cmpf ogt, %parallel_loop3A_185, %parallel_loop3A_187 : vector<16xf32>
        %parallel_loop3A_189 = arith.select %parallel_loop3A_188, %parallel_loop3A_184, %parallel_loop3A_174 : vector<16xi1>, vector<16xf32>
        %parallel_loop3A_190 = arith.mulf %parallel_loop3A_189, %parallel_loop3A_148 : vector<16xf32>
        %parallel_loop3A_191 = arith.subf %parallel_loop3A_190, %parallel_loop3A_174 : vector<16xf32>
        %parallel_loop3A_192 = arith.constant 5.000000e-01 : f32
        %parallel_loop3A_193 = vector.broadcast %parallel_loop3A_192 : f32 to vector<16xf32>
        %parallel_loop3A_194 = arith.mulf %parallel_loop3A_191, %parallel_loop3A_193 : vector<16xf32>
        tpu.vector_store_idx %arg11[%parallel_loop3A_143], %parallel_loop3A_194 masked %parallel_loop3A_176 {add = true} : memref<10000xf32, #tpu.memory_space<vmem>>[vector<16xi32>], vector<16xf32>, vector<16xi1>
        tpu.vector_store_idx %arg11[%parallel_loop3A_146], %parallel_loop3A_194 masked %parallel_loop3A_176 {add = true} : memref<10000xf32, #tpu.memory_space<vmem>>[vector<16xi32>], vector<16xf32>, vector<16xi1>
      } {sc.loop_unroll_factor = 4 : i64, sc.parallel_access}
      %add3A_111 = arith.constant 1 : i32
      %add3A_112 = arith.addi %add3A_88, %add3A_111 : i32
      %dma_wait3A_113 = arith.constant 0 : i32
      %dma_wait3A_114 = tpu.memref_slice %arg3[%dma_wait3A_113] : memref<160000xi32, #tpu.memory_space<hbm>> -> memref<8000xi32, #tpu.memory_space<hbm>>
      %dma_wait3A_115 = arith.constant 0 : i32
      %dma_wait3A_116 = tpu.memref_slice %arg3[%dma_wait3A_115] : memref<160000xi32, #tpu.memory_space<hbm>> -> memref<8000xi32, #tpu.memory_space<hbm>>
      tpu.wait_dma2 semaphore(%arg21 : memref<!tpu.dma_semaphore, #tpu.memory_space<semaphore_mem>>) src(%dma_wait3A_116 : memref<8000xi32, #tpu.memory_space<hbm>>) dst(%arg14 : memref<8000xi32, #tpu.memory_space<vmem>>)
      %dma_wait3A_117 = arith.constant 0 : i32
      %dma_wait3A_118 = tpu.memref_slice %arg4[%dma_wait3A_117] : memref<160000xf32, #tpu.memory_space<hbm>> -> memref<8000xf32, #tpu.memory_space<hbm>>
      %dma_wait3A_119 = arith.constant 0 : i32
      %dma_wait3A_120 = tpu.memref_slice %arg4[%dma_wait3A_119] : memref<160000xf32, #tpu.memory_space<hbm>> -> memref<8000xf32, #tpu.memory_space<hbm>>
      tpu.wait_dma2 semaphore(%arg21 : memref<!tpu.dma_semaphore, #tpu.memory_space<semaphore_mem>>) src(%dma_wait3A_120 : memref<8000xf32, #tpu.memory_space<hbm>>) dst(%arg15 : memref<8000xf32, #tpu.memory_space<vmem>>)
      %add3A_121 = arith.constant 1 : i32
      %add3A_122 = arith.addi %add3A_112, %add3A_121 : i32
      %lt3A_123 = arith.constant 20 : i32
      %lt3A_124 = arith.cmpi slt, %add3A_122, %lt3A_123 : i32
      %convert_element_type3A_125 = arith.extui %lt3A_124 : i1 to i32
      %cond3A_126 = arith.constant 0 : i32
      %cond3A_127 = arith.cmpi ne, %convert_element_type3A_125, %cond3A_126 : i32
      scf.if %cond3A_127 {
        %add3A_138 = arith.constant 1 : i32
        %add3A_139 = arith.addi %add3A_112, %add3A_138 : i32
        %mul3A_140 = arith.constant 8000 : i32
        %mul3A_141 = arith.muli %add3A_139, %mul3A_140 : i32
        %dma_start3A_142 = tpu.memref_slice %arg3[%mul3A_141] : memref<160000xi32, #tpu.memory_space<hbm>> -> memref<8000xi32, #tpu.memory_space<hbm>>
        %dma_start3A_143 = tpu.memref_slice %arg3[%mul3A_141] : memref<160000xi32, #tpu.memory_space<hbm>> -> memref<8000xi32, #tpu.memory_space<hbm>>
        tpu.enqueue_dma source(%dma_start3A_143 : memref<8000xi32, #tpu.memory_space<hbm>>) target(%arg12 : memref<8000xi32, #tpu.memory_space<vmem>>) target_semaphore(%arg20 : memref<!tpu.dma_semaphore, #tpu.memory_space<semaphore_mem>>)
        %dma_start3A_144 = tpu.memref_slice %arg4[%mul3A_141] : memref<160000xf32, #tpu.memory_space<hbm>> -> memref<8000xf32, #tpu.memory_space<hbm>>
        %dma_start3A_145 = tpu.memref_slice %arg4[%mul3A_141] : memref<160000xf32, #tpu.memory_space<hbm>> -> memref<8000xf32, #tpu.memory_space<hbm>>
        tpu.enqueue_dma source(%dma_start3A_145 : memref<8000xf32, #tpu.memory_space<hbm>>) target(%arg13 : memref<8000xf32, #tpu.memory_space<vmem>>) target_semaphore(%arg20 : memref<!tpu.dma_semaphore, #tpu.memory_space<semaphore_mem>>)
      } else {
      }
      %add3A_128 = arith.constant 1 : i32
      %add3A_129 = arith.addi %add3A_112, %add3A_128 : i32
      %eq3A_130 = arith.constant 20 : i32
      %eq3A_131 = arith.cmpi eq, %add3A_129, %eq3A_130 : i32
      %convert_element_type3A_132 = arith.extui %eq3A_131 : i1 to i32
      %cond3A_133 = arith.constant 0 : i32
      %cond3A_134 = arith.cmpi ne, %convert_element_type3A_132, %cond3A_133 : i32
      scf.if %cond3A_134 {
        %dma_start3A_138 = arith.constant 0 : i32
        %dma_start3A_139 = tpu.memref_slice %arg3[%dma_start3A_138] : memref<160000xi32, #tpu.memory_space<hbm>> -> memref<8000xi32, #tpu.memory_space<hbm>>
        %dma_start3A_140 = arith.constant 0 : i32
        %dma_start3A_141 = tpu.memref_slice %arg3[%dma_start3A_140] : memref<160000xi32, #tpu.memory_space<hbm>> -> memref<8000xi32, #tpu.memory_space<hbm>>
        tpu.enqueue_dma source(%dma_start3A_141 : memref<8000xi32, #tpu.memory_space<hbm>>) target(%arg12 : memref<8000xi32, #tpu.memory_space<vmem>>) target_semaphore(%arg20 : memref<!tpu.dma_semaphore, #tpu.memory_space<semaphore_mem>>)
        %dma_start3A_142 = arith.constant 0 : i32
        %dma_start3A_143 = tpu.memref_slice %arg5[%dma_start3A_142] : memref<160000xf32, #tpu.memory_space<hbm>> -> memref<8000xf32, #tpu.memory_space<hbm>>
        %dma_start3A_144 = arith.constant 0 : i32
        %dma_start3A_145 = tpu.memref_slice %arg5[%dma_start3A_144] : memref<160000xf32, #tpu.memory_space<hbm>> -> memref<8000xf32, #tpu.memory_space<hbm>>
        tpu.enqueue_dma source(%dma_start3A_145 : memref<8000xf32, #tpu.memory_space<hbm>>) target(%arg13 : memref<8000xf32, #tpu.memory_space<vmem>>) target_semaphore(%arg20 : memref<!tpu.dma_semaphore, #tpu.memory_space<semaphore_mem>>)
      } else {
      }
      %parallel_loop3A_135 = arith.constant 0 : i32
      %parallel_loop3A_136 = arith.constant 8000 : i32
      %parallel_loop3A_137 = arith.constant 16 : i32
      scf.for %parallel_loop3A_138 = %parallel_loop3A_135 to %parallel_loop3A_136 step %parallel_loop3A_137  : i32 {
        %parallel_loop3A_139 = arith.index_cast %parallel_loop3A_138 : i32 to index
        %parallel_loop3A_140 = tpu.vector_load %arg14[%parallel_loop3A_139] {strides = array<i32>} : memref<8000xi32, #tpu.memory_space<vmem>>, vector<16xi32>,
        %parallel_loop3A_141 = arith.constant 16383 : i32
        %parallel_loop3A_142 = vector.broadcast %parallel_loop3A_141 : i32 to vector<16xi32>
        %parallel_loop3A_143 = arith.andi %parallel_loop3A_140, %parallel_loop3A_142 : vector<16xi32>
        %parallel_loop3A_144 = arith.constant 14 : i32
        %parallel_loop3A_145 = vector.broadcast %parallel_loop3A_144 : i32 to vector<16xi32>
        %parallel_loop3A_146 = arith.shrsi %parallel_loop3A_140, %parallel_loop3A_145 : vector<16xi32>
        %parallel_loop3A_147 = arith.index_cast %parallel_loop3A_138 : i32 to index
        %parallel_loop3A_148 = tpu.vector_load %arg15[%parallel_loop3A_147] {strides = array<i32>} : memref<8000xf32, #tpu.memory_space<vmem>>, vector<16xf32>,
        %parallel_loop3A_149 = tpu.vector_load_idx %arg8[%parallel_loop3A_143] : memref<10000xf32, #tpu.memory_space<vmem>>[vector<16xi32>], vector<16xf32>,
        %parallel_loop3A_150 = tpu.vector_load_idx %arg8[%parallel_loop3A_146] : memref<10000xf32, #tpu.memory_space<vmem>>[vector<16xi32>], vector<16xf32>,
        %parallel_loop3A_151 = arith.subf %parallel_loop3A_149, %parallel_loop3A_150 : vector<16xf32>
        %parallel_loop3A_152 = math.absf %parallel_loop3A_151 : vector<16xf32>
        %parallel_loop3A_153 = arith.cmpf ogt, %parallel_loop3A_152, %parallel_loop3A_148 : vector<16xf32>
        %parallel_loop3A_154 = tpu.bitcast %parallel_loop3A_151 : vector<16xf32> -> vector<16xi32>
        %parallel_loop3A_155 = arith.constant -2147483648 : i32
        %parallel_loop3A_156 = vector.broadcast %parallel_loop3A_155 : i32 to vector<16xi32>
        %parallel_loop3A_157 = arith.andi %parallel_loop3A_154, %parallel_loop3A_156 : vector<16xi32>
        %parallel_loop3A_158 = arith.constant 1065353216 : i32
        %parallel_loop3A_159 = vector.broadcast %parallel_loop3A_158 : i32 to vector<16xi32>
        %parallel_loop3A_160 = arith.ori %parallel_loop3A_159, %parallel_loop3A_157 : vector<16xi32>
        %parallel_loop3A_161 = tpu.bitcast %parallel_loop3A_160 : vector<16xi32> -> vector<16xf32>
        %parallel_loop3A_162 = math.absf %parallel_loop3A_151 : vector<16xf32>
        %parallel_loop3A_163 = arith.constant 0.000000e+00 : f32
        %parallel_loop3A_164 = vector.broadcast %parallel_loop3A_163 : f32 to vector<16xf32>
        %parallel_loop3A_165 = arith.cmpf ogt, %parallel_loop3A_162, %parallel_loop3A_164 : vector<16xf32>
        %parallel_loop3A_166 = arith.select %parallel_loop3A_165, %parallel_loop3A_161, %parallel_loop3A_151 : vector<16xi1>, vector<16xf32>
        %parallel_loop3A_167 = arith.mulf %parallel_loop3A_166, %parallel_loop3A_148 : vector<16xf32>
        %parallel_loop3A_168 = arith.subf %parallel_loop3A_167, %parallel_loop3A_151 : vector<16xf32>
        %parallel_loop3A_169 = arith.constant 5.000000e-01 : f32
        %parallel_loop3A_170 = vector.broadcast %parallel_loop3A_169 : f32 to vector<16xf32>
        %parallel_loop3A_171 = arith.mulf %parallel_loop3A_168, %parallel_loop3A_170 : vector<16xf32>
        tpu.vector_store_idx %arg10[%parallel_loop3A_143], %parallel_loop3A_171 masked %parallel_loop3A_153 {add = true} : memref<10000xf32, #tpu.memory_space<vmem>>[vector<16xi32>], vector<16xf32>, vector<16xi1>
        tpu.vector_store_idx %arg10[%parallel_loop3A_146], %parallel_loop3A_171 masked %parallel_loop3A_153 {add = true} : memref<10000xf32, #tpu.memory_space<vmem>>[vector<16xi32>], vector<16xf32>, vector<16xi1>
        %parallel_loop3A_172 = tpu.vector_load_idx %arg9[%parallel_loop3A_143] : memref<10000xf32, #tpu.memory_space<vmem>>[vector<16xi32>], vector<16xf32>,
        %parallel_loop3A_173 = tpu.vector_load_idx %arg9[%parallel_loop3A_146] : memref<10000xf32, #tpu.memory_space<vmem>>[vector<16xi32>], vector<16xf32>,
        %parallel_loop3A_174 = arith.subf %parallel_loop3A_172, %parallel_loop3A_173 : vector<16xf32>
        %parallel_loop3A_175 = math.absf %parallel_loop3A_174 : vector<16xf32>
        %parallel_loop3A_176 = arith.cmpf ogt, %parallel_loop3A_175, %parallel_loop3A_148 : vector<16xf32>
        %parallel_loop3A_177 = tpu.bitcast %parallel_loop3A_174 : vector<16xf32> -> vector<16xi32>
        %parallel_loop3A_178 = arith.constant -2147483648 : i32
        %parallel_loop3A_179 = vector.broadcast %parallel_loop3A_178 : i32 to vector<16xi32>
        %parallel_loop3A_180 = arith.andi %parallel_loop3A_177, %parallel_loop3A_179 : vector<16xi32>
        %parallel_loop3A_181 = arith.constant 1065353216 : i32
        %parallel_loop3A_182 = vector.broadcast %parallel_loop3A_181 : i32 to vector<16xi32>
        %parallel_loop3A_183 = arith.ori %parallel_loop3A_182, %parallel_loop3A_180 : vector<16xi32>
        %parallel_loop3A_184 = tpu.bitcast %parallel_loop3A_183 : vector<16xi32> -> vector<16xf32>
        %parallel_loop3A_185 = math.absf %parallel_loop3A_174 : vector<16xf32>
        %parallel_loop3A_186 = arith.constant 0.000000e+00 : f32
        %parallel_loop3A_187 = vector.broadcast %parallel_loop3A_186 : f32 to vector<16xf32>
        %parallel_loop3A_188 = arith.cmpf ogt, %parallel_loop3A_185, %parallel_loop3A_187 : vector<16xf32>
        %parallel_loop3A_189 = arith.select %parallel_loop3A_188, %parallel_loop3A_184, %parallel_loop3A_174 : vector<16xi1>, vector<16xf32>
        %parallel_loop3A_190 = arith.mulf %parallel_loop3A_189, %parallel_loop3A_148 : vector<16xf32>
        %parallel_loop3A_191 = arith.subf %parallel_loop3A_190, %parallel_loop3A_174 : vector<16xf32>
        %parallel_loop3A_192 = arith.constant 5.000000e-01 : f32
        %parallel_loop3A_193 = vector.broadcast %parallel_loop3A_192 : f32 to vector<16xf32>
        %parallel_loop3A_194 = arith.mulf %parallel_loop3A_191, %parallel_loop3A_193 : vector<16xf32>
        tpu.vector_store_idx %arg11[%parallel_loop3A_143], %parallel_loop3A_194 masked %parallel_loop3A_176 {add = true} : memref<10000xf32, #tpu.memory_space<vmem>>[vector<16xi32>], vector<16xf32>, vector<16xi1>
        tpu.vector_store_idx %arg11[%parallel_loop3A_146], %parallel_loop3A_194 masked %parallel_loop3A_176 {add = true} : memref<10000xf32, #tpu.memory_space<vmem>>[vector<16xi32>], vector<16xf32>, vector<16xi1>
      } {sc.loop_unroll_factor = 4 : i64, sc.parallel_access}
    }
    %scan3A_46 = arith.constant 10 : i32
    %mul3A_47 = arith.constant 10000 : i32
    %mul3A_48 = arith.muli %mul3A_2, %mul3A_47 : i32
    %dma_start3A_49 = tpu.memref_slice %arg6[%mul3A_48] : memref<640000xf32, #tpu.memory_space<hbm>> -> memref<10000xf32, #tpu.memory_space<hbm>>
    %dma_start3A_50 = tpu.memref_slice %arg6[%mul3A_48] : memref<640000xf32, #tpu.memory_space<hbm>> -> memref<10000xf32, #tpu.memory_space<hbm>>
    tpu.enqueue_dma source(%arg10 : memref<10000xf32, #tpu.memory_space<vmem>>) target(%dma_start3A_50 : memref<10000xf32, #tpu.memory_space<hbm>>) target_semaphore(%arg24 : memref<!tpu.dma_semaphore, #tpu.memory_space<semaphore_mem>>)
    %mul3A_51 = arith.constant 10000 : i32
    %mul3A_52 = arith.muli %add3A_4, %mul3A_51 : i32
    %dma_start3A_53 = tpu.memref_slice %arg6[%mul3A_52] : memref<640000xf32, #tpu.memory_space<hbm>> -> memref<10000xf32, #tpu.memory_space<hbm>>
    %dma_start3A_54 = tpu.memref_slice %arg6[%mul3A_52] : memref<640000xf32, #tpu.memory_space<hbm>> -> memref<10000xf32, #tpu.memory_space<hbm>>
    tpu.enqueue_dma source(%arg11 : memref<10000xf32, #tpu.memory_space<vmem>>) target(%dma_start3A_54 : memref<10000xf32, #tpu.memory_space<hbm>>) target_semaphore(%arg24 : memref<!tpu.dma_semaphore, #tpu.memory_space<semaphore_mem>>)
    %scan3A_55 = arith.constant 0 : i32
    %scan3A_56 = arith.constant 10 : i32
    %scan3A_57 = arith.addi %scan3A_55, %scan3A_56 : i32
    %scan3A_58 = arith.constant 1 : i32
    scf.for %scan3A_84 = %scan3A_55 to %scan3A_57 step %scan3A_58  : i32 {
      %mul3A_85 = arith.constant 2 : i32
      %mul3A_86 = arith.muli %scan3A_84, %mul3A_85 : i32
      %add3A_87 = arith.constant 0 : i32
      %add3A_88 = arith.addi %add3A_87, %mul3A_86 : i32
      %add3A_89 = arith.constant 0 : i32
      %add3A_90 = arith.addi %add3A_88, %add3A_89 : i32
      %dma_wait3A_91 = arith.constant 0 : i32
      %dma_wait3A_92 = tpu.memref_slice %arg3[%dma_wait3A_91] : memref<160000xi32, #tpu.memory_space<hbm>> -> memref<8000xi32, #tpu.memory_space<hbm>>
      %dma_wait3A_93 = arith.constant 0 : i32
      %dma_wait3A_94 = tpu.memref_slice %arg3[%dma_wait3A_93] : memref<160000xi32, #tpu.memory_space<hbm>> -> memref<8000xi32, #tpu.memory_space<hbm>>
      tpu.wait_dma2 semaphore(%arg20 : memref<!tpu.dma_semaphore, #tpu.memory_space<semaphore_mem>>) src(%dma_wait3A_94 : memref<8000xi32, #tpu.memory_space<hbm>>) dst(%arg12 : memref<8000xi32, #tpu.memory_space<vmem>>)
      %dma_wait3A_95 = arith.constant 0 : i32
      %dma_wait3A_96 = tpu.memref_slice %arg4[%dma_wait3A_95] : memref<160000xf32, #tpu.memory_space<hbm>> -> memref<8000xf32, #tpu.memory_space<hbm>>
      %dma_wait3A_97 = arith.constant 0 : i32
      %dma_wait3A_98 = tpu.memref_slice %arg4[%dma_wait3A_97] : memref<160000xf32, #tpu.memory_space<hbm>> -> memref<8000xf32, #tpu.memory_space<hbm>>
      tpu.wait_dma2 semaphore(%arg20 : memref<!tpu.dma_semaphore, #tpu.memory_space<semaphore_mem>>) src(%dma_wait3A_98 : memref<8000xf32, #tpu.memory_space<hbm>>) dst(%arg13 : memref<8000xf32, #tpu.memory_space<vmem>>)
      %add3A_99 = arith.constant 1 : i32
      %add3A_100 = arith.addi %add3A_90, %add3A_99 : i32
      %lt3A = arith.constant 20 : i32
      %lt3A_101 = arith.cmpi slt, %add3A_100, %lt3A : i32
      %convert_element_type3A = arith.extui %lt3A_101 : i1 to i32
      %cond3A = arith.constant 0 : i32
      %cond3A_102 = arith.cmpi ne, %convert_element_type3A, %cond3A : i32
      scf.if %cond3A_102 {
        %add3A_158 = arith.constant 1 : i32
        %add3A_159 = arith.addi %add3A_90, %add3A_158 : i32
        %mul3A_160 = arith.constant 8000 : i32
        %mul3A_161 = arith.muli %add3A_159, %mul3A_160 : i32
        %dma_start3A_162 = tpu.memref_slice %arg3[%mul3A_161] : memref<160000xi32, #tpu.memory_space<hbm>> -> memref<8000xi32, #tpu.memory_space<hbm>>
        %dma_start3A_163 = tpu.memref_slice %arg3[%mul3A_161] : memref<160000xi32, #tpu.memory_space<hbm>> -> memref<8000xi32, #tpu.memory_space<hbm>>
        tpu.enqueue_dma source(%dma_start3A_163 : memref<8000xi32, #tpu.memory_space<hbm>>) target(%arg14 : memref<8000xi32, #tpu.memory_space<vmem>>) target_semaphore(%arg21 : memref<!tpu.dma_semaphore, #tpu.memory_space<semaphore_mem>>)
        %dma_start3A_164 = tpu.memref_slice %arg5[%mul3A_161] : memref<160000xf32, #tpu.memory_space<hbm>> -> memref<8000xf32, #tpu.memory_space<hbm>>
        %dma_start3A_165 = tpu.memref_slice %arg5[%mul3A_161] : memref<160000xf32, #tpu.memory_space<hbm>> -> memref<8000xf32, #tpu.memory_space<hbm>>
        tpu.enqueue_dma source(%dma_start3A_165 : memref<8000xf32, #tpu.memory_space<hbm>>) target(%arg15 : memref<8000xf32, #tpu.memory_space<vmem>>) target_semaphore(%arg21 : memref<!tpu.dma_semaphore, #tpu.memory_space<semaphore_mem>>)
      } else {
      }
      %ge3A = arith.constant 2 : i32
      %ge3A_103 = arith.cmpi sge, %add3A_90, %ge3A : i32
      %convert_element_type3A_104 = arith.extui %ge3A_103 : i1 to i32
      %cond3A_105 = arith.constant 0 : i32
      %cond3A_106 = arith.cmpi ne, %convert_element_type3A_104, %cond3A_105 : i32
      scf.if %cond3A_106 {
        %dma_wait3A_158 = arith.constant 0 : i32
        %dma_wait3A_159 = tpu.memref_slice %arg7[%dma_wait3A_158] : memref<10240000xf32, #tpu.memory_space<hbm>> -> memref<8000xf32, #tpu.memory_space<hbm>>
        %dma_wait3A_160 = arith.constant 0 : i32
        %dma_wait3A_161 = tpu.memref_slice %arg7[%dma_wait3A_160] : memref<10240000xf32, #tpu.memory_space<hbm>> -> memref<8000xf32, #tpu.memory_space<hbm>>
        tpu.wait_dma2 semaphore(%arg22 : memref<!tpu.dma_semaphore, #tpu.memory_space<semaphore_mem>>) src(%arg16 : memref<8000xf32, #tpu.memory_space<vmem>>) dst(%dma_wait3A_161 : memref<8000xf32, #tpu.memory_space<hbm>>)
        %dma_wait3A_162 = arith.constant 0 : i32
        %dma_wait3A_163 = tpu.memref_slice %arg7[%dma_wait3A_162] : memref<10240000xf32, #tpu.memory_space<hbm>> -> memref<8000xf32, #tpu.memory_space<hbm>>
        %dma_wait3A_164 = arith.constant 0 : i32
        %dma_wait3A_165 = tpu.memref_slice %arg7[%dma_wait3A_164] : memref<10240000xf32, #tpu.memory_space<hbm>> -> memref<8000xf32, #tpu.memory_space<hbm>>
        tpu.wait_dma2 semaphore(%arg22 : memref<!tpu.dma_semaphore, #tpu.memory_space<semaphore_mem>>) src(%arg17 : memref<8000xf32, #tpu.memory_space<vmem>>) dst(%dma_wait3A_165 : memref<8000xf32, #tpu.memory_space<hbm>>)
      } else {
      }
      %parallel_loop3A = arith.constant 0 : i32
      %parallel_loop3A_107 = arith.constant 8000 : i32
      %parallel_loop3A_108 = arith.constant 16 : i32
      scf.for %parallel_loop3A_158 = %parallel_loop3A to %parallel_loop3A_107 step %parallel_loop3A_108  : i32 {
        %parallel_loop3A_159 = arith.index_cast %parallel_loop3A_158 : i32 to index
        %parallel_loop3A_160 = tpu.vector_load %arg12[%parallel_loop3A_159] {strides = array<i32>} : memref<8000xi32, #tpu.memory_space<vmem>>, vector<16xi32>,
        %parallel_loop3A_161 = arith.constant 16383 : i32
        %parallel_loop3A_162 = vector.broadcast %parallel_loop3A_161 : i32 to vector<16xi32>
        %parallel_loop3A_163 = arith.andi %parallel_loop3A_160, %parallel_loop3A_162 : vector<16xi32>
        %parallel_loop3A_164 = arith.constant 14 : i32
        %parallel_loop3A_165 = vector.broadcast %parallel_loop3A_164 : i32 to vector<16xi32>
        %parallel_loop3A_166 = arith.shrsi %parallel_loop3A_160, %parallel_loop3A_165 : vector<16xi32>
        %parallel_loop3A_167 = arith.index_cast %parallel_loop3A_158 : i32 to index
        %parallel_loop3A_168 = tpu.vector_load %arg13[%parallel_loop3A_167] {strides = array<i32>} : memref<8000xf32, #tpu.memory_space<vmem>>, vector<16xf32>,
        %parallel_loop3A_169 = tpu.vector_load_idx %arg10[%parallel_loop3A_163] : memref<10000xf32, #tpu.memory_space<vmem>>[vector<16xi32>], vector<16xf32>,
        %parallel_loop3A_170 = tpu.vector_load_idx %arg10[%parallel_loop3A_166] : memref<10000xf32, #tpu.memory_space<vmem>>[vector<16xi32>], vector<16xf32>,
        %parallel_loop3A_171 = arith.subf %parallel_loop3A_169, %parallel_loop3A_170 : vector<16xf32>
        %parallel_loop3A_172 = arith.mulf %parallel_loop3A_171, %parallel_loop3A_168 : vector<16xf32>
        %parallel_loop3A_173 = arith.index_cast %parallel_loop3A_158 : i32 to index
        %parallel_loop3A_174 = tpu.vector_load %arg16[%parallel_loop3A_173] {strides = array<i32>} : memref<8000xf32, #tpu.memory_space<vmem>>, vector<16xf32>,
        tpu.vector_store %arg16[%parallel_loop3A_173], %parallel_loop3A_172 {strides = array<i32>} : memref<8000xf32, #tpu.memory_space<vmem>>, vector<16xf32>,
        %parallel_loop3A_175 = tpu.vector_load_idx %arg11[%parallel_loop3A_163] : memref<10000xf32, #tpu.memory_space<vmem>>[vector<16xi32>], vector<16xf32>,
        %parallel_loop3A_176 = tpu.vector_load_idx %arg11[%parallel_loop3A_166] : memref<10000xf32, #tpu.memory_space<vmem>>[vector<16xi32>], vector<16xf32>,
        %parallel_loop3A_177 = arith.subf %parallel_loop3A_175, %parallel_loop3A_176 : vector<16xf32>
        %parallel_loop3A_178 = arith.mulf %parallel_loop3A_177, %parallel_loop3A_168 : vector<16xf32>
        %parallel_loop3A_179 = arith.index_cast %parallel_loop3A_158 : i32 to index
        %parallel_loop3A_180 = tpu.vector_load %arg17[%parallel_loop3A_179] {strides = array<i32>} : memref<8000xf32, #tpu.memory_space<vmem>>, vector<16xf32>,
        tpu.vector_store %arg17[%parallel_loop3A_179], %parallel_loop3A_178 {strides = array<i32>} : memref<8000xf32, #tpu.memory_space<vmem>>, vector<16xf32>,
      } {sc.loop_unroll_factor = 4 : i64, sc.parallel_access}
      %mul3A_109 = arith.constant 8000 : i32
      %mul3A_110 = arith.muli %add3A_90, %mul3A_109 : i32
      %mul3A_111 = arith.constant 160000 : i32
      %mul3A_112 = arith.muli %mul3A_2, %mul3A_111 : i32
      %add3A_113 = arith.addi %mul3A_112, %mul3A_110 : i32
      %dma_start3A_114 = tpu.memref_slice %arg7[%add3A_113] : memref<10240000xf32, #tpu.memory_space<hbm>> -> memref<8000xf32, #tpu.memory_space<hbm>>
      %dma_start3A_115 = tpu.memref_slice %arg7[%add3A_113] : memref<10240000xf32, #tpu.memory_space<hbm>> -> memref<8000xf32, #tpu.memory_space<hbm>>
      tpu.enqueue_dma source(%arg16 : memref<8000xf32, #tpu.memory_space<vmem>>) target(%dma_start3A_115 : memref<8000xf32, #tpu.memory_space<hbm>>) target_semaphore(%arg22 : memref<!tpu.dma_semaphore, #tpu.memory_space<semaphore_mem>>)
      %mul3A_116 = arith.constant 160000 : i32
      %mul3A_117 = arith.muli %add3A_4, %mul3A_116 : i32
      %add3A_118 = arith.addi %mul3A_117, %mul3A_110 : i32
      %dma_start3A_119 = tpu.memref_slice %arg7[%add3A_118] : memref<10240000xf32, #tpu.memory_space<hbm>> -> memref<8000xf32, #tpu.memory_space<hbm>>
      %dma_start3A_120 = tpu.memref_slice %arg7[%add3A_118] : memref<10240000xf32, #tpu.memory_space<hbm>> -> memref<8000xf32, #tpu.memory_space<hbm>>
      tpu.enqueue_dma source(%arg17 : memref<8000xf32, #tpu.memory_space<vmem>>) target(%dma_start3A_120 : memref<8000xf32, #tpu.memory_space<hbm>>) target_semaphore(%arg22 : memref<!tpu.dma_semaphore, #tpu.memory_space<semaphore_mem>>)
      %add3A_121 = arith.constant 1 : i32
      %add3A_122 = arith.addi %add3A_88, %add3A_121 : i32
      %dma_wait3A_123 = arith.constant 0 : i32
      %dma_wait3A_124 = tpu.memref_slice %arg3[%dma_wait3A_123] : memref<160000xi32, #tpu.memory_space<hbm>> -> memref<8000xi32, #tpu.memory_space<hbm>>
      %dma_wait3A_125 = arith.constant 0 : i32
      %dma_wait3A_126 = tpu.memref_slice %arg3[%dma_wait3A_125] : memref<160000xi32, #tpu.memory_space<hbm>> -> memref<8000xi32, #tpu.memory_space<hbm>>
      tpu.wait_dma2 semaphore(%arg21 : memref<!tpu.dma_semaphore, #tpu.memory_space<semaphore_mem>>) src(%dma_wait3A_126 : memref<8000xi32, #tpu.memory_space<hbm>>) dst(%arg14 : memref<8000xi32, #tpu.memory_space<vmem>>)
      %dma_wait3A_127 = arith.constant 0 : i32
      %dma_wait3A_128 = tpu.memref_slice %arg4[%dma_wait3A_127] : memref<160000xf32, #tpu.memory_space<hbm>> -> memref<8000xf32, #tpu.memory_space<hbm>>
      %dma_wait3A_129 = arith.constant 0 : i32
      %dma_wait3A_130 = tpu.memref_slice %arg4[%dma_wait3A_129] : memref<160000xf32, #tpu.memory_space<hbm>> -> memref<8000xf32, #tpu.memory_space<hbm>>
      tpu.wait_dma2 semaphore(%arg21 : memref<!tpu.dma_semaphore, #tpu.memory_space<semaphore_mem>>) src(%dma_wait3A_130 : memref<8000xf32, #tpu.memory_space<hbm>>) dst(%arg15 : memref<8000xf32, #tpu.memory_space<vmem>>)
      %add3A_131 = arith.constant 1 : i32
      %add3A_132 = arith.addi %add3A_122, %add3A_131 : i32
      %lt3A_133 = arith.constant 20 : i32
      %lt3A_134 = arith.cmpi slt, %add3A_132, %lt3A_133 : i32
      %convert_element_type3A_135 = arith.extui %lt3A_134 : i1 to i32
      %cond3A_136 = arith.constant 0 : i32
      %cond3A_137 = arith.cmpi ne, %convert_element_type3A_135, %cond3A_136 : i32
      scf.if %cond3A_137 {
        %add3A_158 = arith.constant 1 : i32
        %add3A_159 = arith.addi %add3A_122, %add3A_158 : i32
        %mul3A_160 = arith.constant 8000 : i32
        %mul3A_161 = arith.muli %add3A_159, %mul3A_160 : i32
        %dma_start3A_162 = tpu.memref_slice %arg3[%mul3A_161] : memref<160000xi32, #tpu.memory_space<hbm>> -> memref<8000xi32, #tpu.memory_space<hbm>>
        %dma_start3A_163 = tpu.memref_slice %arg3[%mul3A_161] : memref<160000xi32, #tpu.memory_space<hbm>> -> memref<8000xi32, #tpu.memory_space<hbm>>
        tpu.enqueue_dma source(%dma_start3A_163 : memref<8000xi32, #tpu.memory_space<hbm>>) target(%arg12 : memref<8000xi32, #tpu.memory_space<vmem>>) target_semaphore(%arg20 : memref<!tpu.dma_semaphore, #tpu.memory_space<semaphore_mem>>)
        %dma_start3A_164 = tpu.memref_slice %arg5[%mul3A_161] : memref<160000xf32, #tpu.memory_space<hbm>> -> memref<8000xf32, #tpu.memory_space<hbm>>
        %dma_start3A_165 = tpu.memref_slice %arg5[%mul3A_161] : memref<160000xf32, #tpu.memory_space<hbm>> -> memref<8000xf32, #tpu.memory_space<hbm>>
        tpu.enqueue_dma source(%dma_start3A_165 : memref<8000xf32, #tpu.memory_space<hbm>>) target(%arg13 : memref<8000xf32, #tpu.memory_space<vmem>>) target_semaphore(%arg20 : memref<!tpu.dma_semaphore, #tpu.memory_space<semaphore_mem>>)
      } else {
      }
      %ge3A_138 = arith.constant 2 : i32
      %ge3A_139 = arith.cmpi sge, %add3A_122, %ge3A_138 : i32
      %convert_element_type3A_140 = arith.extui %ge3A_139 : i1 to i32
      %cond3A_141 = arith.constant 0 : i32
      %cond3A_142 = arith.cmpi ne, %convert_element_type3A_140, %cond3A_141 : i32
      scf.if %cond3A_142 {
        %dma_wait3A_158 = arith.constant 0 : i32
        %dma_wait3A_159 = tpu.memref_slice %arg7[%dma_wait3A_158] : memref<10240000xf32, #tpu.memory_space<hbm>> -> memref<8000xf32, #tpu.memory_space<hbm>>
        %dma_wait3A_160 = arith.constant 0 : i32
        %dma_wait3A_161 = tpu.memref_slice %arg7[%dma_wait3A_160] : memref<10240000xf32, #tpu.memory_space<hbm>> -> memref<8000xf32, #tpu.memory_space<hbm>>
        tpu.wait_dma2 semaphore(%arg23 : memref<!tpu.dma_semaphore, #tpu.memory_space<semaphore_mem>>) src(%arg18 : memref<8000xf32, #tpu.memory_space<vmem>>) dst(%dma_wait3A_161 : memref<8000xf32, #tpu.memory_space<hbm>>)
        %dma_wait3A_162 = arith.constant 0 : i32
        %dma_wait3A_163 = tpu.memref_slice %arg7[%dma_wait3A_162] : memref<10240000xf32, #tpu.memory_space<hbm>> -> memref<8000xf32, #tpu.memory_space<hbm>>
        %dma_wait3A_164 = arith.constant 0 : i32
        %dma_wait3A_165 = tpu.memref_slice %arg7[%dma_wait3A_164] : memref<10240000xf32, #tpu.memory_space<hbm>> -> memref<8000xf32, #tpu.memory_space<hbm>>
        tpu.wait_dma2 semaphore(%arg23 : memref<!tpu.dma_semaphore, #tpu.memory_space<semaphore_mem>>) src(%arg19 : memref<8000xf32, #tpu.memory_space<vmem>>) dst(%dma_wait3A_165 : memref<8000xf32, #tpu.memory_space<hbm>>)
      } else {
      }
      %parallel_loop3A_143 = arith.constant 0 : i32
      %parallel_loop3A_144 = arith.constant 8000 : i32
      %parallel_loop3A_145 = arith.constant 16 : i32
      scf.for %parallel_loop3A_158 = %parallel_loop3A_143 to %parallel_loop3A_144 step %parallel_loop3A_145  : i32 {
        %parallel_loop3A_159 = arith.index_cast %parallel_loop3A_158 : i32 to index
        %parallel_loop3A_160 = tpu.vector_load %arg14[%parallel_loop3A_159] {strides = array<i32>} : memref<8000xi32, #tpu.memory_space<vmem>>, vector<16xi32>,
        %parallel_loop3A_161 = arith.constant 16383 : i32
        %parallel_loop3A_162 = vector.broadcast %parallel_loop3A_161 : i32 to vector<16xi32>
        %parallel_loop3A_163 = arith.andi %parallel_loop3A_160, %parallel_loop3A_162 : vector<16xi32>
        %parallel_loop3A_164 = arith.constant 14 : i32
        %parallel_loop3A_165 = vector.broadcast %parallel_loop3A_164 : i32 to vector<16xi32>
        %parallel_loop3A_166 = arith.shrsi %parallel_loop3A_160, %parallel_loop3A_165 : vector<16xi32>
        %parallel_loop3A_167 = arith.index_cast %parallel_loop3A_158 : i32 to index
        %parallel_loop3A_168 = tpu.vector_load %arg15[%parallel_loop3A_167] {strides = array<i32>} : memref<8000xf32, #tpu.memory_space<vmem>>, vector<16xf32>,
        %parallel_loop3A_169 = tpu.vector_load_idx %arg10[%parallel_loop3A_163] : memref<10000xf32, #tpu.memory_space<vmem>>[vector<16xi32>], vector<16xf32>,
        %parallel_loop3A_170 = tpu.vector_load_idx %arg10[%parallel_loop3A_166] : memref<10000xf32, #tpu.memory_space<vmem>>[vector<16xi32>], vector<16xf32>,
        %parallel_loop3A_171 = arith.subf %parallel_loop3A_169, %parallel_loop3A_170 : vector<16xf32>
        %parallel_loop3A_172 = arith.mulf %parallel_loop3A_171, %parallel_loop3A_168 : vector<16xf32>
        %parallel_loop3A_173 = arith.index_cast %parallel_loop3A_158 : i32 to index
        %parallel_loop3A_174 = tpu.vector_load %arg18[%parallel_loop3A_173] {strides = array<i32>} : memref<8000xf32, #tpu.memory_space<vmem>>, vector<16xf32>,
        tpu.vector_store %arg18[%parallel_loop3A_173], %parallel_loop3A_172 {strides = array<i32>} : memref<8000xf32, #tpu.memory_space<vmem>>, vector<16xf32>,
        %parallel_loop3A_175 = tpu.vector_load_idx %arg11[%parallel_loop3A_163] : memref<10000xf32, #tpu.memory_space<vmem>>[vector<16xi32>], vector<16xf32>,
        %parallel_loop3A_176 = tpu.vector_load_idx %arg11[%parallel_loop3A_166] : memref<10000xf32, #tpu.memory_space<vmem>>[vector<16xi32>], vector<16xf32>,
        %parallel_loop3A_177 = arith.subf %parallel_loop3A_175, %parallel_loop3A_176 : vector<16xf32>
        %parallel_loop3A_178 = arith.mulf %parallel_loop3A_177, %parallel_loop3A_168 : vector<16xf32>
        %parallel_loop3A_179 = arith.index_cast %parallel_loop3A_158 : i32 to index
        %parallel_loop3A_180 = tpu.vector_load %arg19[%parallel_loop3A_179] {strides = array<i32>} : memref<8000xf32, #tpu.memory_space<vmem>>, vector<16xf32>,
        tpu.vector_store %arg19[%parallel_loop3A_179], %parallel_loop3A_178 {strides = array<i32>} : memref<8000xf32, #tpu.memory_space<vmem>>, vector<16xf32>,
      } {sc.loop_unroll_factor = 4 : i64, sc.parallel_access}
      %mul3A_146 = arith.constant 8000 : i32
      %mul3A_147 = arith.muli %add3A_122, %mul3A_146 : i32
      %mul3A_148 = arith.constant 160000 : i32
      %mul3A_149 = arith.muli %mul3A_2, %mul3A_148 : i32
      %add3A_150 = arith.addi %mul3A_149, %mul3A_147 : i32
      %dma_start3A_151 = tpu.memref_slice %arg7[%add3A_150] : memref<10240000xf32, #tpu.memory_space<hbm>> -> memref<8000xf32, #tpu.memory_space<hbm>>
      %dma_start3A_152 = tpu.memref_slice %arg7[%add3A_150] : memref<10240000xf32, #tpu.memory_space<hbm>> -> memref<8000xf32, #tpu.memory_space<hbm>>
      tpu.enqueue_dma source(%arg18 : memref<8000xf32, #tpu.memory_space<vmem>>) target(%dma_start3A_152 : memref<8000xf32, #tpu.memory_space<hbm>>) target_semaphore(%arg23 : memref<!tpu.dma_semaphore, #tpu.memory_space<semaphore_mem>>)
      %mul3A_153 = arith.constant 160000 : i32
      %mul3A_154 = arith.muli %add3A_4, %mul3A_153 : i32
      %add3A_155 = arith.addi %mul3A_154, %mul3A_147 : i32
      %dma_start3A_156 = tpu.memref_slice %arg7[%add3A_155] : memref<10240000xf32, #tpu.memory_space<hbm>> -> memref<8000xf32, #tpu.memory_space<hbm>>
      %dma_start3A_157 = tpu.memref_slice %arg7[%add3A_155] : memref<10240000xf32, #tpu.memory_space<hbm>> -> memref<8000xf32, #tpu.memory_space<hbm>>
      tpu.enqueue_dma source(%arg19 : memref<8000xf32, #tpu.memory_space<vmem>>) target(%dma_start3A_157 : memref<8000xf32, #tpu.memory_space<hbm>>) target_semaphore(%arg23 : memref<!tpu.dma_semaphore, #tpu.memory_space<semaphore_mem>>)
    }
    %scan3A_59 = arith.constant 10 : i32
    %dma_wait3A_60 = arith.constant 0 : i32
    %dma_wait3A_61 = tpu.memref_slice %arg7[%dma_wait3A_60] : memref<10240000xf32, #tpu.memory_space<hbm>> -> memref<8000xf32, #tpu.memory_space<hbm>>
    %dma_wait3A_62 = arith.constant 0 : i32
    %dma_wait3A_63 = tpu.memref_slice %arg7[%dma_wait3A_62] : memref<10240000xf32, #tpu.memory_space<hbm>> -> memref<8000xf32, #tpu.memory_space<hbm>>
    tpu.wait_dma2 semaphore(%arg22 : memref<!tpu.dma_semaphore, #tpu.memory_space<semaphore_mem>>) src(%arg16 : memref<8000xf32, #tpu.memory_space<vmem>>) dst(%dma_wait3A_63 : memref<8000xf32, #tpu.memory_space<hbm>>)
    %dma_wait3A_64 = arith.constant 0 : i32
    %dma_wait3A_65 = tpu.memref_slice %arg7[%dma_wait3A_64] : memref<10240000xf32, #tpu.memory_space<hbm>> -> memref<8000xf32, #tpu.memory_space<hbm>>
    %dma_wait3A_66 = arith.constant 0 : i32
    %dma_wait3A_67 = tpu.memref_slice %arg7[%dma_wait3A_66] : memref<10240000xf32, #tpu.memory_space<hbm>> -> memref<8000xf32, #tpu.memory_space<hbm>>
    tpu.wait_dma2 semaphore(%arg22 : memref<!tpu.dma_semaphore, #tpu.memory_space<semaphore_mem>>) src(%arg17 : memref<8000xf32, #tpu.memory_space<vmem>>) dst(%dma_wait3A_67 : memref<8000xf32, #tpu.memory_space<hbm>>)
    %dma_wait3A_68 = arith.constant 0 : i32
    %dma_wait3A_69 = tpu.memref_slice %arg7[%dma_wait3A_68] : memref<10240000xf32, #tpu.memory_space<hbm>> -> memref<8000xf32, #tpu.memory_space<hbm>>
    %dma_wait3A_70 = arith.constant 0 : i32
    %dma_wait3A_71 = tpu.memref_slice %arg7[%dma_wait3A_70] : memref<10240000xf32, #tpu.memory_space<hbm>> -> memref<8000xf32, #tpu.memory_space<hbm>>
    tpu.wait_dma2 semaphore(%arg23 : memref<!tpu.dma_semaphore, #tpu.memory_space<semaphore_mem>>) src(%arg18 : memref<8000xf32, #tpu.memory_space<vmem>>) dst(%dma_wait3A_71 : memref<8000xf32, #tpu.memory_space<hbm>>)
    %dma_wait3A_72 = arith.constant 0 : i32
    %dma_wait3A_73 = tpu.memref_slice %arg7[%dma_wait3A_72] : memref<10240000xf32, #tpu.memory_space<hbm>> -> memref<8000xf32, #tpu.memory_space<hbm>>
    %dma_wait3A_74 = arith.constant 0 : i32
    %dma_wait3A_75 = tpu.memref_slice %arg7[%dma_wait3A_74] : memref<10240000xf32, #tpu.memory_space<hbm>> -> memref<8000xf32, #tpu.memory_space<hbm>>
    tpu.wait_dma2 semaphore(%arg23 : memref<!tpu.dma_semaphore, #tpu.memory_space<semaphore_mem>>) src(%arg19 : memref<8000xf32, #tpu.memory_space<vmem>>) dst(%dma_wait3A_75 : memref<8000xf32, #tpu.memory_space<hbm>>)
    %dma_wait3A_76 = arith.constant 0 : i32
    %dma_wait3A_77 = tpu.memref_slice %arg6[%dma_wait3A_76] : memref<640000xf32, #tpu.memory_space<hbm>> -> memref<10000xf32, #tpu.memory_space<hbm>>
    %dma_wait3A_78 = arith.constant 0 : i32
    %dma_wait3A_79 = tpu.memref_slice %arg6[%dma_wait3A_78] : memref<640000xf32, #tpu.memory_space<hbm>> -> memref<10000xf32, #tpu.memory_space<hbm>>
    tpu.wait_dma2 semaphore(%arg24 : memref<!tpu.dma_semaphore, #tpu.memory_space<semaphore_mem>>) src(%arg10 : memref<10000xf32, #tpu.memory_space<vmem>>) dst(%dma_wait3A_79 : memref<10000xf32, #tpu.memory_space<hbm>>)
    %dma_wait3A_80 = arith.constant 0 : i32
    %dma_wait3A_81 = tpu.memref_slice %arg6[%dma_wait3A_80] : memref<640000xf32, #tpu.memory_space<hbm>> -> memref<10000xf32, #tpu.memory_space<hbm>>
    %dma_wait3A_82 = arith.constant 0 : i32
    %dma_wait3A_83 = tpu.memref_slice %arg6[%dma_wait3A_82] : memref<640000xf32, #tpu.memory_space<hbm>> -> memref<10000xf32, #tpu.memory_space<hbm>>
    tpu.wait_dma2 semaphore(%arg24 : memref<!tpu.dma_semaphore, #tpu.memory_space<semaphore_mem>>) src(%arg11 : memref<10000xf32, #tpu.memory_space<vmem>>) dst(%dma_wait3A_83 : memref<10000xf32, #tpu.memory_space<hbm>>)
    return
  }
}

</mosaic_0001>

<sc_bundles>
// kernel: _run.3.cloned.1.call-start
scs
__scs_entry_jumppad:
0x0: {  	(pc) =	sbr.rel $0x88, $3  }
0x1: {  	(tag) =	ssettag $0x0;
	lr =	simm.s32 $0x1  }
0x2: {  	[smem:$0x3F9D] =	sst lr;
	_ =	strace $0xD0000000  }
0x3: {  	_ = 	snop  }
0x4: {  	_ = 	snop  }
0x5: {  	_ = 	snop  }
0x6: {  	_ = 	snop  }
0x7: {  	_ = 	snop  }
__scs_overlays_trampoline_lowered:
0x8: {  	[smem:$0x3FAC] =	sst s0  }
0x9: {  	[smem:$0x3FAD] =	sst s1  }
0xa: {  	[smem:$0x3FAE] =	sst s2  }
0xb: {  	[smem:$0x3FAF] =	sst s3  }
0xc: {  	[smem:$0x3FB0] =	sst s4  }
0xd: {  	[smem:$0x3FB1] =	sst s5  }
0xe: {  	[smem:$0x3FB2] =	sst s6  }
0xf: {  	[smem:$0x3FB3] =	sst s7  }
0x10: {  	[smem:$0x3FB4] =	sst s8  }
0x11: {  	[smem:$0x3FB5] =	sst s9;
	s0 =	simm.s32 @!p0 $0x0  }
0x12: {  	s1 =	sld [smem:$0x3F9B];
	s0 =	simm.s32 @p0 $0x1  }
0x13: {  	[smem:$0x3FB6] =	sst s0;
	s0 =	simm.s32 @!p1 $0x0  }
0x14: {  	s2 =	sld [smem:$0x3F9A];
	s0 =	simm.s32 @p1 $0x1  }
0x15: {  	[smem:$0x3FB7] =	sst s0;
	s0 =	simm.s32 @!p2 $0x0  }
0x16: {  	s3 =	sld [smem:$0x3FDB];
	s0 =	simm.s32 @p2 $0x1  }
0x17: {  	s4 =	simm.s32 $0x1BF5;
	[smem:$0x3FB9] =	sst s0  }
0x18: {  	s0 =	sld [smem:$0x3F9C];
	_ =	swait.ge [sflag:s4], $0x0  }
0x19: {  	s7 =	sld [smem:$0x3F9D]  }
0x1a: {  	s8 =	sadd.s32 $0xFFFFE003, lr  }
0x1b: {  	s9 =	sadd.s32 $0xFFFFFEF7, lr;
	s5 =	simm.s32 $0xFFFFFFFF;
	p2 =	slt.u32 s8, $0xFFFFF086  }
0x1c: {  	p1 =	slt.u32 s9, $0xF7A;
	s5 =	simm.s32 @!p2 $0x0  }
0x1d: {  	s5 =	simm.s32 @p1 $0x1;
	p0 =	seq.s32 s7, s2  }
0x1e: {  	s7 =	smul.u32 @!p0 $0xF7A, s2;
	p2 =	seq.s32 @!p0 s5, $0x0  }
0x1f: {  	s9 =	smul.u32 $0xF7A, s1;
	s8 =	simm.s32 @!p0 $0x1BF5;
	p2 =	por !p2, p0  }
0x20: {  	[sflag:s8] =	ssyncset.s32 @!p0 $0xFFFFF086;
	s6 =	sadd.s32 @!p0 s3, s7;
	s7 =	simm.s32 @!p0 $0x108  }
0x21: {  	s3 =	sadd.s32 s3, s9;
	s6 =	sadd.s32 @!p0 $0x88, s6;
	s7 =	simm.s32 @p2 $0x1082  }
0x22: {  	[simem:s7], [sflag:s8] =	dma.local @!p0 [hbm:s6], $0xF7A  }
0x23: {  	s9 =	sor.u32 $0xD0000000, s2;
	s6 =	simm.s32 $0x108;
	_ =	swait.ge @!p0 [sflag:s8], $0x0  }
0x24: {  	s3 =	sadd.s32 $0x88, s3;
	s6 =	simm.s32 @!p1 $0x1082;
	[sflag:s4] =	ssyncset.s32 $0xFFFFF086  }
0x25: {  	[simem:s6], [sflag:s4] =	dma.local [hbm:s3], $0xF7A  }
0x26: {  	[smem:$0x3F9D] =	sst s1;
	(tag) =	ssettag s2;
	_ =	strace s9  }
0x27: {  	s1 =	sld [smem:$0x3FAD]  }
0x28: {  	s2 =	sld [smem:$0x3FAE]  }
0x29: {  	s4 =	sld [smem:$0x3FB0]  }
0x2a: {  	p0 =	seq.s32 s5, $0x0;
	s5 =	sld [smem:$0x3FB1]  }
0x2b: {  	s6 =	sld [smem:$0x3FB2]  }
0x2c: {  	s7 =	sld [smem:$0x3FB3]  }
0x2d: {  	s3 =	simm.s32 $0x108;
	s8 =	sld [smem:$0x3FB4]  }
0x2e: {  	s3 =	simm.s32 @!p0 $0x1082;
	s9 =	sld [smem:$0x3FB5]  }
0x2f: {  	lr =	sadd.s32 s0, s3;
	s0 =	sld [smem:$0x3FAC]  }
0x30: {  	s3 =	sld [smem:$0x3FAF]  }
0x31: {  	[smem:$0x3FB8] =	sst s10  }
0x32: {  	s10 =	sld [smem:$0x3FB6];
	_ =	sdelay $0x3  }
0x33: {  	p0 =	seq.s32 s10, $0x1;
	s10 =	sld [smem:$0x3FB8];
	_ =	sdelay $0x3  }
0x34: {  	[smem:$0x3FB8] =	sst s10  }
0x35: {  	s10 =	sld [smem:$0x3FB7];
	_ =	sdelay $0x3  }
0x36: {  	p1 =	seq.s32 s10, $0x1;
	s10 =	sld [smem:$0x3FB8];
	_ =	sdelay $0x3  }
0x37: {  	[smem:$0x3FB8] =	sst s10  }
0x38: {  	s10 =	sld [smem:$0x3FB9]  }
0x39: {  	_ = 	snop;
	(pc) =	sbr.ind lr, $3  }
0x3a: {  	_ = 	snop  }
0x3b: {  	_ = 	snop  }
0x3c: {  	p2 =	seq.s32 s10, $0x1;
	s10 =	sld [smem:$0x3FB8]  }
0x3d: {  	_ =	shalt  }
0x3e: {  	_ =	shalt  }
0x3f: {  	_ =	shalt  }
0x40: {  	_ =	shalt  }
0x41: {  	_ =	shalt  }
0x42: {  	_ =	shalt  }
0x43: {  	_ =	shalt  }
0x44: {  	_ =	shalt  }
0x45: {  	_ =	shalt  }
0x46: {  	_ =	shalt  }
0x47: {  	_ =	shalt  }
0x48: {  	_ =	shalt  }
0x49: {  	_ =	shalt  }
0x4a: {  	_ =	shalt  }
0x4b: {  	_ =	shalt  }
0x4c: {  	_ =	shalt  }
0x4d: {  	_ =	shalt  }
0x4e: {  	_ =	shalt  }
0x4f: {  	_ =	shalt  }
0x50: {  	_ =	shalt  }
0x51: {  	_ =	shalt  }
0x52: {  	_ =	shalt  }
0x53: {  	_ =	shalt  }
0x54: {  	_ =	shalt  }
0x55: {  	_ =	shalt  }
0x56: {  	_ =	shalt  }
0x57: {  	_ =	shalt  }
0x58: {  	_ =	shalt  }
0x59: {  	_ =	shalt  }
0x5a: {  	_ =	shalt  }
0x5b: {  	_ =	shalt  }
0x5c: {  	_ =	shalt  }
0x5d: {  	_ =	shalt  }
0x5e: {  	_ =	shalt  }
0x5f: {  	_ =	shalt  }
0x60: {  	_ =	shalt  }
0x61: {  	_ =	shalt  }
0x62: {  	_ =	shalt  }
0x63: {  	_ =	shalt  }
0x64: {  	_ =	shalt  }
0x65: {  	_ =	shalt  }
0x66: {  	_ =	shalt  }
0x67: {  	_ =	shalt  }
0x68: {  	_ =	shalt  }
0x69: {  	_ =	shalt  }
0x6a: {  	_ =	shalt  }
0x6b: {  	_ =	shalt  }
0x6c: {  	_ =	shalt  }
0x6d: {  	_ =	shalt  }
0x6e: {  	_ =	shalt  }
0x6f: {  	_ =	shalt  }
0x70: {  	_ =	shalt  }
0x71: {  	_ =	shalt  }
0x72: {  	_ =	shalt  }
0x73: {  	_ =	shalt  }
0x74: {  	_ =	shalt  }
0x75: {  	_ =	shalt  }
0x76: {  	_ =	shalt  }
0x77: {  	_ =	shalt  }
0x78: {  	_ =	shalt  }
0x79: {  	_ =	shalt  }
0x7a: {  	_ =	shalt  }
0x7b: {  	_ =	shalt  }
0x7c: {  	_ =	shalt  }
0x7d: {  	_ =	shalt  }
0x7e: {  	_ =	shalt  }
0x7f: {  	_ =	shalt  }
0x80: {  	_ =	shalt  }
0x81: {  	_ =	shalt  }
0x82: {  	_ =	shalt  }
0x83: {  	_ =	shalt  }
0x84: {  	_ =	shalt  }
0x85: {  	_ =	shalt  }
0x86: {  	_ =	shalt  }
0x87: {  	_ =	shalt  }
.Lfunc_end0:
.L_simem_size_0:
called_computation_lowered:
.L_overlay_start_0:
0x88: {  	s2 =	sld [smem:$0x3FD9]  }
0x89: {  	s3 =	sld [smem:$0x3FFE];
	_ =	sdelay $0x1  }
0x8a: {  	s1 =	srdreg.scid  }
0x8b: {  	s0 =	sand.u32 $0x1, s1  }
0x8c: {  	s15 =	sshll.u32 s0, $0xA;
	s2 =	sadd.s32 s3, s2  }
0x8d: {  	s2 =	sadd.s32 s2, s15  }
0x8e: {  	[smem:$0x3FC4] =	sst s2  }
0x8f: {  	_ = 	snop  }
0x90: {  	s2 =	sld [smem:$0x3FC9]  }
0x91: {  	s16 =	sld [smem:$0x3FD0]  }
0x92: {  	s4 =	sld [smem:$0x3FC8]  }
0x93: {  	s5 =	sld [smem:$0x3FC7]  }
0x94: {  	s7 =	simm.s32 $0xA;
	s8 =	simm.s32 $0x10;
	s6 =	sld [smem:$0x3FC6]  }
0x95: {  	[smem:s8], [sflag:s7] =	dma.local [hbm:s16], $0x1  }
0x96: {  	_ =	swait.eq [sflag:s7], $0x1  }
0x97: {  	[sflag:s7] =	ssyncset.done $0x0  }
0x98: {  	s17 =	sld [smem:$0x10];
	[sflag:s7] =	ssyncadd.s32 $0xFFFFFFFF  }
0x99: {  	s18 =	sld [smem:$0x11];
	(tm) =	ssettm $0x1  }
0x9a: {  	s19 =	sld [smem:$0x3FFB];
	_ =	sdelay $0x3  }
0x9b: {  	_ =	strace s19  }
0x9c: {  	s8 =	sld [smem:$0x3FFC];
	_ =	sdelay $0x3  }
0x9d: {  	_ =	strace s8  }
0x9e: {  	s8 =	sld [smem:$0x3FFD];
	_ =	sdelay $0x3  }
0x9f: {  	_ =	strace s8  }
0xa0: {  	_ =	strace $0x8FFFFFFF  }
0xa1: {  	s20 =	sld [smem:$0x3FDB];
	_ =	sdelay $0x1  }
0xa2: {  	s9 =	simm.s32 $_scs_section_size  }
0xa3: {  	s10 =	simm.s32 $_size__tile_overlayer_lowered;
	s11 =	simm.s32 $_tile_overlayer_lowered  }
0xa4: {  	s23 =	simm.s32 $0x1BFF;
	s22 =	sshll.u32 s11, $0x1;
	s8 =	sadd.s32 s9, s20  }
0xa5: {  	s12 =	simm.s32 $0x0;
	s21 =	sshll.u32 s10, $0x1;
	s10 =	sadd.s32 s22, s8  }
0xa6: {  	[timem:s12], [sflag:s23] =	dma.local [hbm:s10], s21  }
0xa7: {  	_ =	swait.ge [sflag:s23], s21  }
0xa8: {  	s9 =	ssub.s32 $0x0, s21;
	[sflag:s23] =	ssyncset.done $0x0  }
0xa9: {  	[sflag:s23] =	ssyncadd.s32 s9;
	_ =	sdelay $0x1  }
0xaa: {  	s24 =	simm.s32 $0x1B8B  }
0xab: {  	_ =	swait.ge [sflag:s24], $0x1  }
0xac: {  	[sflag:s24] =	ssyncset.done $0x0  }
0xad: {  	s25 =	simm.s32 $0x1B8E;
	[sflag:s24] =	ssyncadd.s32 $0xFFFFFFFF  }
0xae: {  	s26 =	simm.s32 $execute0_lowered;
	[smem:$0x3FD2] =	sst s25  }
0xaf: {  	s9 =	sshll.u32 s26, $0x1;
	_ =	strace $0x80000046;
	[dreg:$0x1] =	wrdreg $0xFFFFFFFF  }
0xb0: {  	s28 =	simm.s32 $_size_execute0_lowered;
	s8 =	sadd.s32 s8, s9;
	[dreg:$0x0] =	wrdreg $0x0  }
0xb1: {  	s9 =	sshll.u32 s28, $0x1;
	[dreg:$0x2] =	wrdreg s8  }
0xb2: {  	[dreg:$0x3] =	wrdreg s9  }
0xb3: {  	[dreg:$0x4] =	wrdreg $0xC0  }
0xb4: {  	_ =	task [dreg:s12], $0x5FFFF  }
0xb5: {  	[dreg:$0x1] =	wrdreg $0xFFFFFFFF  }
0xb6: {  	[dreg:$0x0] =	wrdreg $0x60  }
0xb7: {  	[dreg:$0x2] =	wrdreg s2  }
0xb8: {  	[dreg:$0x3] =	wrdreg s4  }
0xb9: {  	[dreg:$0x4] =	wrdreg s5  }
0xba: {  	[dreg:$0x5] =	wrdreg s6  }
0xbb: {  	[dreg:$0x6] =	wrdreg s17  }
0xbc: {  	[dreg:$0x7] =	wrdreg s18  }
0xbd: {  	[dreg:$0x8] =	wrdreg $0x9  }
0xbe: {  	_ =	task.clear_ibuf [dreg:s12], $0x9FFFF;
	_ =	strace $0x90000046  }
0xbf: {  	s29 =	simm.s32 $0x9;
	_ =	strace $0x80000048  }
0xc0: {  	_ =	swait.ge [sflag:s29], $0x1  }
0xc1: {  	[sflag:s29] =	ssyncadd.s32 $0xFFFFFFFF  }
0xc2: {  	_ =	strace $0x90000048  }
0xc3: {  	_ =	sfence  }
0xc4: {  	s30 =	sld [smem:$0x0];
	_ =	sdelay $0x2  }
0xc5: {  	s31 =	sshll.u32 s1, $0xD;
	s1 =	sshrl.u32 s1, $0x2  }
0xc6: {  	s3 =	sand.u32 $0x4000, s31;
	s1 =	sadd.s32 s1, s30  }
0xc7: {  	s0 =	sor.u32 s3, s0;
	s1 =	sshll.u32 s1, $0x11  }
0xc8: {  	s0 =	sor.u32 s1, s0  }
0xc9: {  	s0 =	sadd.s32 $0x8F2B, s0  }
0xca: {  	[sflag:s0] =	ssyncadd.remote.s32 $0x1  }
0xcb: {  	_ =	sfence.sel $0xFFFF  }
0xcc: {  	[dreg:$0x0] =	wrdreg $0xFFFFFFFF;
	(pc) =	sbr.abs _section_cstart, $3  }
0xcd: {  	[dreg:$0x1] =	wrdreg $0xFFFFFFFF  }
0xce: {  	_ =	task.clear_ibuf [dreg:s12], $0x2FFFF;
	_ =	strace $0x9FFFFFFF  }
0xcf: {  	(tm) =	ssettm $0x7FFFFFFF  }
tec
execute0_lowered:
.L_overlay_start_1:
0x0: {  	(tag) =	ssettag $0x1  }
0x1: {  	s1 =	rddreg [dreg:$0x0]  }
0x2: {  	s0 =	rddreg [dreg:$0x1]  }
0x3: {  	s2 =	rddreg [dreg:$0x2]  }
0x4: {  	s3 =	rddreg [dreg:$0x3]  }
0x5: {  	s4 =	rddreg [dreg:$0x4];
	s6 =	srdreg.scid  }
0x6: {  	s8 =	stileid.u32;
	s5 =	rddreg [dreg:$0x5];
	s16 =	simm.s32 $0x4F00  }
0x7: {  	s17 =	simm.s32 $0x2780;
	s18 =	simm.s32 $0x7680;
	s19 =	simm.s32 $0x3  }
0x8: {  	s20 =	simm.s32 $0x1;
	s21 =	simm.s32 $0xDD00;
	s22 =	simm.s32 $0xFC80  }
0x9: {  	s28 =	simm.s32 $0x17A80;
	s29 =	simm.s32 $0x4;
	s30 =	simm.s32 $0x5  }
0xa: {  	s7 =	sand.u32 $0x1, s6;
	s8 =	sshll.u32 s8, $0x1;
	s6 =	simm.s32 $0x0  }
0xb: {  	s31 =	simm.s32 $0x0;
	s9 =	sor.u32 s7, s8;
	[smem:$0x7FF] =	sst s6  }
0xc: {  	s7 =	ssub.s32 $0x2, s7;
	s10 =	sshllo.u32 s9, $0x1;
	s11 =	smul.u32 $0x9C4, s9  }
0xd: {  	s23 =	sshrl.u32 s7, $0x1;
	_ =	strace $0x80000047;
	s9 =	smul.u32 $0x4E200, s9  }
0xe: {  	s12 =	smul.u32 $0x4E2, s10;
	s13 =	ssub.s32 s7, s23;
	s23 =	simm.s32 $0x2  }
0xf: {  	s7 =	sadd.s32 s1, s11;
	s24 =	sadd.s32 s4, s11;
	s26 =	smax.u32 s13, $0x1  }
0x10: {  	s8 =	sadd.s32 s1, s12;
	[dreg:$0x7] =	wrdreg s24;
	s25 =	sadd.s32 s4, s12  }
0x11: {  	v0 =	vimm.f32 $1.000000000e+00;
	s12 =	smul.u32 $0x27100, s10;
	[dreg:$0x9] =	wrdreg s26;
	s24 =	simm.s32 $0x11C00  }
0x12: {  	v0 =	vand.u32 $0x7FFFFFFF, v0;
	s26 =	simm.s32 $0x15B00;
	[dreg:$0x8] =	wrdreg s25;
	s25 =	simm.s32 $0x13B80  }
.LBB2_1:
0x13: {  	s1 =	simm.s32 $0x9E00  }
0x14: {  	[tilespmem:s1], [sflag:$0x1] =	stream.linear.gather [hbm4b:s0+s6], $0x1F40, $0x38;
	[tilespmem:$0x19A00] =	vst v63  }
0x15: {  	s15 =	simm.s32 $0xBD80  }
0x16: {  	[tilespmem:s15], [sflag:$0x1] =	stream.linear.gather [hbm4b:s2+s6], $0x1F40, $0x38;
	[tilespmem:$0x19A00] =	vst v63  }
0x17: {  	_ = 	snop  }
0x18: {  	[tilespmem:s6], [sflag:$0x3] =	stream.linear.gather [hbm4b:s7+s6], $0x2710, $0x38;
	[tilespmem:$0x19A00] =	vst v63  }
0x19: {  	_ = 	snop  }
0x1a: {  	[tilespmem:s16], [sflag:$0x3] =	stream.linear.gather [hbm4b:s7+s6], $0x2710, $0x38;
	[tilespmem:$0x19A00] =	vst v63  }
0x1b: {  	_ = 	snop  }
0x1c: {  	[tilespmem:s17], [sflag:$0x3] =	stream.linear.gather [hbm4b:s8+s6], $0x2710, $0x38;
	[tilespmem:$0x19A00] =	vst v63  }
0x1d: {  	_ = 	snop  }
0x1e: {  	[tilespmem:s18], [sflag:$0x3] =	stream.linear.gather [hbm4b:s8+s6], $0x2710, $0x38;
	[tilespmem:$0x19A00] =	vst v63  }
0x1f: {  	_ =	swait.ge [sflag:s19], $0x2710  }
0x20: {  	[sflag:s19] =	ssyncset.done $0x0  }
0x21: {  	[sflag:s19] =	ssyncadd.s32 $0xFFFFD8F0  }
0x22: {  	_ =	swait.ge [sflag:s19], $0x2710  }
0x23: {  	[sflag:s19] =	ssyncset.done $0x0  }
0x24: {  	[sflag:s19] =	ssyncadd.s32 $0xFFFFD8F0  }
0x25: {  	_ =	swait.ge [sflag:s19], $0x2710  }
0x26: {  	[sflag:s19] =	ssyncset.done $0x0  }
0x27: {  	[sflag:s19] =	ssyncadd.s32 $0xFFFFD8F0  }
0x28: {  	_ =	swait.ge [sflag:s19], $0x2710  }
0x29: {  	[sflag:s19] =	ssyncset.done $0x0  }
0x2a: {  	s4 =	simm.s32 $0x0;
	[sflag:s19] =	ssyncadd.s32 $0xFFFFD8F0  }
.LBB2_2:
0x2b: {  	_ =	swait.ge [sflag:s20], $0x1F40  }
0x2c: {  	s1 =	smul.u32 $0x3E80, s4;
	[sflag:s20] =	ssyncset.done $0x0  }
0x2d: {  	[sflag:s20] =	ssyncadd.s32 $0xFFFFE0C0  }
0x2e: {  	s1 =	sshrl.u32 s1, $0x3;
	_ =	swait.ge [sflag:s20], $0x1F40  }
0x2f: {  	s1 =	sadd.s32 $0x3E8, s1;
	[sflag:s20] =	ssyncset.done $0x0  }
0x30: {  	s10 =	sadd.s32 s0, s1;
	[sflag:s20] =	ssyncadd.s32 $0xFFFFE0C0  }
0x31: {  	[tilespmem:s21], [sflag:$0x2] =	stream.linear.gather [hbm4b:s10+s6], $0x1F40, $0x38;
	[tilespmem:$0x19A00] =	vst v63  }
0x32: {  	s11 =	simm.s32 $0x9E20;
	s1 =	sadd.s32 s2, s1  }
0x33: {  	[tilespmem:s22], [sflag:$0x2] =	stream.linear.gather [hbm4b:s1+s6], $0x1F40, $0x38;
	[tilespmem:$0x19A00] =	vst v63  }
0x34: {  	v1 =	vld [tilespmem:s11+$0xFFFFFFE0];
	_ =	sdelay $0x3  }
0x35: {  	v2 =	vld [tilespmem:s11+$0xFFFFFFF0]  }
0x36: {  	v23 =	vand.u32 $0x3FFF, v1;
	v18 =	vshra.s32 v1, $0xE;
	v1 =	vld [tilespmem:s11+$0x0];
	_ =	sdelay $0x3  }
0x37: {  	v6 =	vld [tilespmem:s11+$0x10];
	v17 =	vshra.s32 v2, $0xE  }
0x38: {  	v4 =	vld.idx.msk [tilespmem:v23+s6+$0x0], $0xffff;
	v3 =	vshra.s32 v1, $0xE  }
0x39: {  	v16 =	vand.u32 $0x3FFF, v2;
	v5 =	vld.idx.msk [tilespmem:v18+s6+$0x0], $0xffff  }
0x3a: {  	s13 =	simm.s32 $0xBDA0;
	v11 =	vand.u32 $0x3FFF, v1  }
0x3b: {  	v12 =	vld [tilespmem:s13+$0xFFFFFFE0]  }
0x3c: {  	v7 =	vld.idx.msk [tilespmem:v17+s6+$0x0], $0xffff  }
0x3d: {  	v2 =	vld.idx.msk [tilespmem:v3+s6+$0x0], $0xffff  }
0x3e: {  	v14 =	vand.u32 $0x3FFF, v6;
	v1 =	vsub.f32 v4, v5;
	v4 =	vld.idx.msk [tilespmem:v16+s6+$0x0], $0xffff  }
0x3f: {  	v15 =	vshra.s32 v6, $0xE;
	v6 =	vld.idx.msk [tilespmem:v11+s6+$0x0], $0xffff  }
0x40: {  	v5 =	vand.u32 $0x80000000, v1;
	vm0 =	vlt.f32 v1, $0.0e+00;
	vm1 =	vgt.f32 v1, $0.0e+00  }
0x41: {  	v20 =	vld [tilespmem:s13+$0x10];
	v5 =	vor.u32 v5, v0;
	vm0 =	vmor vm1, vm0  }
0x42: {  	v24 =	vld [tilespmem:s13+$0xFFFFFFF0];
	v8 =	vand.u32 $0x7FFFFFFF, v1;
	v5 =	vsel vm0, v5, v1  }
0x43: {  	vm0 =	vgt.f32 v8, v12;
	v8 =	vld.idx.msk [tilespmem:v14+s6+$0x0], $0xffff;
	v5 =	vmul.f32 v5, v12  }
0x44: {  	s14 =	simm.s32 $0x9E60;
	v4 =	vsub.f32 v4, v7;
	v6 =	vsub.f32 v6, v2;
	v2 =	vld.idx.msk [tilespmem:v15+s6+$0x0], $0xffff  }
0x45: {  	v1 =	vsub.f32 v5, v1;
	v5 =	vld [tilespmem:s14+$0xFFFFFFE0]  }
0x46: {  	v19 =	vld [tilespmem:s13+$0x0];
	v7 =	vand.u32 $0x80000000, v4  }
0x47: {  	v26 =	vld [tilespmem:s14+$0x10];
	v9 =	vand.u32 $0x80000000, v6;
	vm1 =	vlt.f32 v6, $0.0e+00;
	v1 =	vmul.f32 $5.000000000e-01, v1  }
0x48: {  	v27 =	vld [tilespmem:s14+$0x0];
	vm2 =	vlt.f32 v4, $0.0e+00;
	v10 =	vand.u32 $0x7FFFFFFF, v6;
	v7 =	vor.u32 v7, v0  }
0x49: {  	vm3 =	vgt.f32 v4, $0.0e+00;
	v13 =	vor.u32 v9, v0;
	v22 =	vsub.f32 v8, v2;
	[tilespmem:v23+s16+$0x0] =	vst.idx.add.f32.msk vm0, v1  }
0x4a: {  	[tilespmem:v18+s16+$0x0] =	vst.idx.add.f32.msk vm0, v1;
	v1 =	vshra.s32 v5, $0xE;
	vm0 =	vmor vm3, vm2;
	v2 =	vand.u32 $0x3FFF, v5  }
0x4b: {  	v28 =	vld [tilespmem:s14+$0xFFFFFFF0];
	s14 =	simm.s32 $0x9EA0;
	v8 =	vand.u32 $0x7FFFFFFF, v22;
	vm3 =	vlt.f32 v22, $0.0e+00;
	v7 =	vsel vm0, v7, v4  }
0x4c: {  	v36 =	vld [tilespmem:s14+$0xFFFFFFE0];
	vm0 =	vgt.f32 v6, $0.0e+00;
	v5 =	vmul.f32 v7, v24;
	v7 =	vand.u32 $0x7FFFFFFF, v4  }
0x4d: {  	v43 =	vld [tilespmem:s14+$0xFFFFFFF0];
	vm0 =	vmor vm0, vm1;
	vm1 =	vgt.f32 v22, $0.0e+00;
	vm2 =	vgt.f32 v7, v24  }
0x4e: {  	v21 =	vld.idx.msk [tilespmem:v23+s17+$0x0], $0xffff;
	v7 =	vand.u32 $0x80000000, v22;
	v13 =	vsel vm0, v13, v6;
	vm0 =	vmor vm1, vm3  }
0x4f: {  	s15 =	simm.s32 $0xBDE0;
	v25 =	vld.idx.msk [tilespmem:v18+s17+$0x0], $0xffff;
	vm1 =	vgt.f32 v8, v20;
	v7 =	vor.u32 v7, v0;
	v13 =	vmul.f32 v13, v19  }
0x50: {  	v8 =	vld [tilespmem:s15+$0x0];
	v4 =	vsub.f32 v5, v4;
	v7 =	vsel vm0, v7, v22;
	vm0 =	vgt.f32 v10, v19  }
0x51: {  	v10 =	vld.idx.msk [tilespmem:v2+s6+$0x0], $0xffff;
	v5 =	vmul.f32 v7, v20  }
0x52: {  	v7 =	vld.idx.msk [tilespmem:v1+s6+$0x0], $0xffff;
	v13 =	vsub.f32 v13, v6;
	v29 =	vmul.f32 $5.000000000e-01, v4;
	v4 =	vshra.s32 v27, $0xE  }
0x53: {  	v5 =	vsub.f32 v5, v22;
	v22 =	vld [tilespmem:s15+$0xFFFFFFE0]  }
0x54: {  	v30 =	vmul.f32 $5.000000000e-01, v13;
	[tilespmem:v16+s16+$0x0] =	vst.idx.add.f32.msk vm2, v29  }
0x55: {  	[tilespmem:v17+s16+$0x0] =	vst.idx.add.f32.msk vm2, v29  }
0x56: {  	[tilespmem:v11+s16+$0x0] =	vst.idx.add.f32.msk vm0, v30  }
0x57: {  	v13 =	vand.u32 $0x3FFF, v28;
	v10 =	vsub.f32 v10, v7;
	v7 =	vshra.s32 v28, $0xE;
	v28 =	vld.idx.msk [tilespmem:v4+s6+$0x0], $0xffff  }
0x58: {  	v31 =	vmul.f32 $5.000000000e-01, v5;
	v33 =	vld.idx.msk [tilespmem:v16+s17+$0x0], $0xffff  }
0x59: {  	v5 =	vand.u32 $0x3FFF, v27;
	v34 =	vld.idx.msk [tilespmem:v17+s17+$0x0], $0xffff  }
0x5a: {  	[tilespmem:v14+s16+$0x0] =	vst.idx.add.f32.msk vm1, v31;
	v32 =	vand.u32 $0x80000000, v10;
	vm3 =	vlt.f32 v10, $0.0e+00;
	vm4 =	vgt.f32 v10, $0.0e+00  }
0x5b: {  	v21 =	vsub.f32 v21, v25;
	[tilespmem:v15+s16+$0x0] =	vst.idx.add.f32.msk vm1, v31;
	v32 =	vor.u32 v32, v0;
	vm3 =	vmor vm4, vm3  }
0x5c: {  	v6 =	vand.u32 $0x3FFF, v26;
	v29 =	vand.u32 $0x7FFFFFFF, v10;
	v60 =	vld.idx.msk [tilespmem:v15+s17+$0x0], $0xffff;
	v32 =	vsel vm3, v32, v10  }
0x5d: {  	v35 =	vand.u32 $0x80000000, v21;
	vm2 =	vgt.f32 v29, v22;
	v37 =	vld.idx.msk [tilespmem:v14+s17+$0x0], $0xffff;
	v29 =	vmul.f32 v32, v22  }
0x5e: {  	v58 =	vand.u32 $0x7FFFFFFF, v21;
	v35 =	vor.u32 v35, v0;
	v25 =	vld.idx.msk [tilespmem:v5+s6+$0x0], $0xffff  }
0x5f: {  	v57 =	vld.idx.msk [tilespmem:v13+s6+$0x0], $0xffff;
	vm4 =	vgt.f32 v21, $0.0e+00;
	vm3 =	vlt.f32 v21, $0.0e+00;
	v29 =	vsub.f32 v29, v10  }
0x60: {  	vm1 =	vmor vm4, vm3;
	v38 =	vsub.f32 v33, v34;
	v10 =	vshra.s32 v26, $0xE;
	v26 =	vld.idx.msk [tilespmem:v7+s6+$0x0], $0xffff  }
0x61: {  	v27 =	vld.idx.msk [tilespmem:v6+s6+$0x0], $0xffff;
	vm3 =	vgt.f32 v58, v12;
	v31 =	vsel vm1, v35, v21;
	v29 =	vmul.f32 $5.000000000e-01, v29  }
0x62: {  	[tilespmem:v3+s16+$0x0] =	vst.idx.add.f32.msk vm0, v30;
	v31 =	vmul.f32 v31, v12;
	v61 =	vand.u32 $0x7FFFFFFF, v38;
	v34 =	vsub.f32 v37, v60  }
0x63: {  	v30 =	vand.u32 $0x3FFF, v43;
	vm1 =	vgt.f32 v61, v24;
	v25 =	vsub.f32 v25, v28;
	[tilespmem:v2+s16+$0x0] =	vst.idx.add.f32.msk vm2, v29  }
0x64: {  	v12 =	vsub.f32 v31, v21;
	v45 =	vand.u32 $0x80000000, v34;
	vm7 =	vgt.f32 v34, $0.0e+00;
	[tilespmem:v1+s16+$0x0] =	vst.idx.add.f32.msk vm2, v29  }
0x65: {  	v31 =	vand.u32 $0x80000000, v25;
	vm4 =	vlt.f32 v25, $0.0e+00;
	v29 =	vsub.f32 v57, v26;
	v26 =	vld.idx.msk [tilespmem:v10+s6+$0x0], $0xffff  }
0x66: {  	v21 =	vld [tilespmem:s15+$0xFFFFFFF0];
	v59 =	vmul.f32 $5.000000000e-01, v12;
	v39 =	vand.u32 $0x7FFFFFFF, v25;
	v12 =	vshra.s32 v36, $0xE  }
0x67: {  	v9 =	vld [tilespmem:s15+$0x10];
	v28 =	vand.u32 $0x80000000, v29;
	vm2 =	vlt.f32 v29, $0.0e+00;
	vm5 =	vgt.f32 v29, $0.0e+00  }
0x68: {  	v62 =	vld [tilespmem:s14+$0x10];
	v31 =	vor.u32 v31, v0;
	v28 =	vor.u32 v28, v0;
	vm2 =	vmor vm5, vm2  }
0x69: {  	vm0 =	vgt.f32 v39, v8;
	[tilespmem:v23+s18+$0x0] =	vst.idx.add.f32.msk vm3, v59;
	vm5 =	vgt.f32 v25, $0.0e+00;
	v23 =	vsel vm2, v28, v29  }
0x6a: {  	v63 =	vld [tilespmem:s14+$0x0];
	vm2 =	vgt.f32 v38, $0.0e+00;
	vm4 =	vmor vm5, vm4;
	v27 =	vsub.f32 v27, v26  }
0x6b: {  	s1 =	simm.s32 $0xBE20;
	[tilespmem:v18+s18+$0x0] =	vst.idx.add.f32.msk vm3, v59;
	v18 =	vmul.f32 v23, v21;
	v23 =	vand.u32 $0x7FFFFFFF, v29;
	v31 =	vsel vm4, v31, v25  }
0x6c: {  	v32 =	vld [tilespmem:s1+$0xFFFFFFE0];
	v28 =	vand.u32 $0x80000000, v38;
	vm3 =	vgt.f32 v23, v21;
	v31 =	vmul.f32 v31, v8  }
0x6d: {  	v33 =	vld.idx.msk [tilespmem:v2+s17+$0x0], $0xffff;
	v40 =	vand.u32 $0x80000000, v27;
	vm5 =	vgt.f32 v27, $0.0e+00;
	v29 =	vsub.f32 v18, v29  }
0x6e: {  	v35 =	vld.idx.msk [tilespmem:v1+s17+$0x0], $0xffff;
	v41 =	vand.u32 $0x7FFFFFFF, v27;
	vm6 =	vlt.f32 v27, $0.0e+00;
	v18 =	vand.u32 $0x3FFF, v36  }
0x6f: {  	v42 =	vld.idx.msk [tilespmem:v12+s6+$0x0], $0xffff;
	vm4 =	vmor vm5, vm6;
	v40 =	vor.u32 v40, v0;
	v25 =	vsub.f32 v31, v25  }
0x70: {  	v26 =	vld [tilespmem:s1+$0x10];
	v40 =	vsel vm4, v40, v27;
	v37 =	vmul.f32 $5.000000000e-01, v29;
	vm4 =	vlt.f32 v38, $0.0e+00  }
0x71: {  	v23 =	vld [tilespmem:s1+$0x0];
	v29 =	vmul.f32 v40, v9;
	vm4 =	vmor vm2, vm4;
	vm2 =	vgt.f32 v41, v9  }
0x72: {  	v28 =	vor.u32 v28, v0;
	vm5 =	vlt.f32 v34, $0.0e+00;
	v40 =	vld.idx.msk [tilespmem:v11+s17+$0x0], $0xffff;
	v31 =	vmul.f32 $5.000000000e-01, v25  }
0x73: {  	v41 =	vld.idx.msk [tilespmem:v3+s17+$0x0], $0xffff;
	v44 =	vsub.f32 v29, v27;
	v27 =	vsel vm4, v28, v38;
	v28 =	vand.u32 $0x3FFF, v62  }
0x74: {  	v25 =	vshra.s32 v63, $0xE;
	v39 =	vld.idx.msk [tilespmem:v18+s6+$0x0], $0xffff;
	v29 =	vmul.f32 v27, v24;
	v27 =	vshra.s32 v62, $0xE  }
0x75: {  	[tilespmem:v13+s16+$0x0] =	vst.idx.add.f32.msk vm3, v37;
	v24 =	vand.u32 $0x3FFF, v63;
	v36 =	vmul.f32 $5.000000000e-01, v44;
	v44 =	vand.u32 $0x7FFFFFFF, v34  }
0x76: {  	s15 =	simm.s32 $0x80;
	[tilespmem:v5+s16+$0x0] =	vst.idx.add.f32.msk vm0, v31;
	v38 =	vsub.f32 v29, v38;
	v29 =	vshra.s32 v43, $0xE;
	v43 =	vor.u32 v45, v0  }
.LBB2_3:
0x77: {  	s15 =	sadd.s32 $0x40, s15;
	v33 =	vsub.f32 v33, v35;
	[tilespmem:v6+s16+$0x0] =	vst.idx.add.f32.msk vm2, v36  }
0x78: {  	v40 =	vsub.f32 v40, v41;
	vm4 =	vgt.f32 v44, v20;
	p0 =	slt.u32 s15, $0x1F00;
	v35 =	vld.idx.msk [tilespmem:v28+s6+$0x0], $0xffff  }
0x79: {  	vm5 =	vmor vm7, vm5;
	v39 =	vsub.f32 v39, v42;
	v41 =	vld.idx.msk [tilespmem:v25+s6+$0x0], $0xffff;
	vm6 =	vlt.f32 v33, $0.0e+00  }
0x7a: {  	v42 =	vsel vm5, v43, v34;
	[tilespmem:v7+s16+$0x0] =	vst.idx.add.f32.msk vm3, v37;
	v37 =	vand.u32 $0x80000000, v40;
	vm3 =	vlt.f32 v40, $0.0e+00  }
0x7b: {  	v42 =	vmul.f32 v42, v20;
	v20 =	vmovc v9;
	v9 =	vmovc v26;
	v43 =	vand.u32 $0x80000000, v39;
	vm5 =	vlt.f32 v39, $0.0e+00;
	v44 =	vld.idx.msk [tilespmem:v13+s17+$0x0], $0xffff  }
0x7c: {  	vm8 =	vgt.f32 v40, $0.0e+00;
	vm7 =	vgt.f32 v39, $0.0e+00;
	v26 =	vor.u32 v43, v0;
	v43 =	vld.idx.msk [tilespmem:v24+s6+$0x0], $0xffff  }
0x7d: {  	v38 =	vmul.f32 $5.000000000e-01, v38;
	v46 =	vand.u32 $0x7FFFFFFF, v40;
	vm5 =	vmor vm7, vm5;
	v45 =	vld.idx.msk [tilespmem:v7+s17+$0x0], $0xffff  }
0x7e: {  	v47 =	vand.u32 $0x7FFFFFFF, v39;
	v34 =	vsub.f32 v42, v34;
	v26 =	vsel vm5, v26, v39;
	v48 =	vld.idx.msk [tilespmem:v30+s6+$0x0], $0xffff  }
0x7f: {  	vm7 =	vmor vm8, vm3;
	vm5 =	vgt.f32 v47, v32;
	v26 =	vmul.f32 v26, v32;
	[tilespmem:v16+s18+$0x0] =	vst.idx.add.f32.msk vm1, v38  }
0x80: {  	vm3 =	vgt.f32 v46, v19;
	v37 =	vor.u32 v37, v0;
	v47 =	vand.u32 $0x80000000, v33;
	v16 =	vmovc v13;
	v42 =	vld.idx.msk [tilespmem:v29+s6+$0x0], $0xffff  }
0x81: {  	v13 =	vsub.f32 v26, v39;
	v26 =	vmul.f32 $5.000000000e-01, v34;
	[tilespmem:v17+s18+$0x0] =	vst.idx.add.f32.msk vm1, v38;
	v17 =	vsel vm7, v37, v40  }
0x82: {  	v34 =	vor.u32 v47, v0;
	vm1 =	vgt.f32 v33, $0.0e+00;
	[tilespmem:v10+s16+$0x0] =	vst.idx.add.f32.msk vm2, v36;
	v37 =	vmul.f32 v17, v19  }
0x83: {  	v36 =	vmul.f32 $5.000000000e-01, v13;
	vm1 =	vmor vm1, vm6;
	v19 =	vmovc v8;
	v8 =	vmovc v23;
	[tilespmem:v14+s18+$0x0] =	vst.idx.add.f32.msk vm4, v26;
	v14 =	vmov v6  }
0x84: {  	v34 =	vsel vm1, v34, v33;
	v37 =	vsub.f32 v37, v40;
	[tilespmem:v15+s18+$0x0] =	vst.idx.add.f32.msk vm4, v26;
	v15 =	vmov v10  }
0x85: {  	s14 =	sadd.s32 $0x40, s14;
	v6 =	vmovc v28;
	v23 =	vmul.f32 v34, v22;
	v10 =	vmov v27;
	v17 =	vmov v7;
	[tilespmem:v18+s16+$0x0] =	vst.idx.add.f32.msk vm5, v36  }
0x86: {  	v13 =	vmov v30;
	v7 =	vmov v29;
	v27 =	vld [tilespmem:s14+$0xFFFFFFE0];
	v26 =	vmul.f32 $5.000000000e-01, v37  }
0x87: {  	v30 =	vand.u32 $0x7FFFFFFF, v33;
	v29 =	vsub.f32 v43, v41;
	v28 =	vsub.f32 v48, v42;
	[tilespmem:v12+s16+$0x0] =	vst.idx.add.f32.msk vm5, v36  }
0x88: {  	vm4 =	vgt.f32 v30, v22;
	v22 =	vmov v32;
	v23 =	vsub.f32 v23, v33;
	[tilespmem:v11+s18+$0x0] =	vst.idx.add.f32.msk vm3, v26  }
0x89: {  	v32 =	vand.u32 $0x80000000, v29;
	v30 =	vand.u32 $0x80000000, v28;
	vm5 =	vlt.f32 v29, $0.0e+00;
	[tilespmem:v3+s18+$0x0] =	vst.idx.add.f32.msk vm3, v26;
	v3 =	vmovc v4;
	v4 =	vmovc v25  }
0x8a: {  	vm2 =	vlt.f32 v28, $0.0e+00;
	v36 =	vsub.f32 v44, v45;
	v11 =	vmovc v5;
	v5 =	vmovc v24;
	v25 =	vand.u32 $0x7FFFFFFF, v29;
	v26 =	vld.idx.msk [tilespmem:v10+s6+$0x0], $0xffff  }
0x8b: {  	v32 =	vor.u32 v32, v0;
	v30 =	vor.u32 v30, v0;
	v24 =	vld [tilespmem:s1+$0xFFFFFFF0]  }
0x8c: {  	v23 =	vmul.f32 $5.000000000e-01, v23;
	vm3 =	vgt.f32 v28, $0.0e+00;
	v34 =	vand.u32 $0x7FFFFFFF, v36;
	v37 =	vld.idx.msk [tilespmem:v15+s17+$0x0], $0xffff  }
0x8d: {  	vm1 =	vgt.f32 v34, v21;
	v38 =	vshra.s32 v27, $0xE;
	v33 =	vld.idx.msk [tilespmem:v18+s17+$0x0], $0xffff  }
0x8e: {  	vm2 =	vmor vm3, vm2;
	vm3 =	vgt.f32 v29, $0.0e+00;
	[tilespmem:v2+s18+$0x0] =	vst.idx.add.f32.msk vm4, v23;
	v2 =	vmov v18  }
0x8f: {  	v18 =	vsel vm2, v30, v28;
	vm2 =	vgt.f32 v36, $0.0e+00;
	v30 =	vld.idx.msk [tilespmem:v14+s17+$0x0], $0xffff  }
0x90: {  	vm5 =	vmor vm3, vm5;
	v41 =	vsub.f32 v35, v26;
	v18 =	vmul.f32 v18, v24;
	[tilespmem:v1+s18+$0x0] =	vst.idx.add.f32.msk vm4, v23  }
0x91: {  	v39 =	vand.u32 $0x80000000, v36;
	v23 =	vand.u32 $0x7FFFFFFF, v28;
	v1 =	vmovc v12;
	v35 =	vld.idx.msk [tilespmem:v12+s17+$0x0], $0xffff;
	v12 =	vmov v38  }
0x92: {  	s1 =	sadd.s32 $0x40, s1;
	vm3 =	vgt.f32 v23, v24;
	v34 =	vand.u32 $0x80000000, v41;
	vm4 =	vgt.f32 v41, $0.0e+00;
	v38 =	vld [tilespmem:s14+$0x10]  }
0x93: {  	v42 =	vand.u32 $0x7FFFFFFF, v41;
	vm6 =	vlt.f32 v41, $0.0e+00;
	v28 =	vsub.f32 v18, v28;
	v26 =	vld [tilespmem:s1+$0x10]  }
0x94: {  	v18 =	vand.u32 $0x3FFF, v27;
	v27 =	vsel vm5, v32, v29;
	vm4 =	vmor vm4, vm6;
	v43 =	vld [tilespmem:s14+$0x0]  }
0x95: {  	v32 =	vor.u32 v34, v0;
	v27 =	vmul.f32 v27, v8;
	v34 =	vsub.f32 v30, v37;
	v23 =	vld [tilespmem:s1+$0x0]  }
0x96: {  	v44 =	vor.u32 v39, v0;
	v32 =	vsel vm4, v32, v41;
	v30 =	vld [tilespmem:s14+$0xFFFFFFF0]  }
0x97: {  	vm4 =	vlt.f32 v36, $0.0e+00;
	v37 =	vmul.f32 $5.000000000e-01, v28;
	v28 =	vmul.f32 v32, v9;
	[tilespmem:v3+s16+$0x0] =	vst.idx.add.f32.msk vm0, v31  }
0x98: {  	vm4 =	vmor vm2, vm4;
	vm0 =	vgt.f32 v25, v8;
	v25 =	vsub.f32 v27, v29;
	v40 =	vld.idx.msk [tilespmem:v11+s17+$0x0], $0xffff  }
0x99: {  	vm2 =	vgt.f32 v42, v9;
	v45 =	vsub.f32 v28, v41;
	v27 =	vsel vm4, v44, v36;
	v39 =	vld.idx.msk [tilespmem:v18+s6+$0x0], $0xffff  }
.Ltmp0:
0x9a: {  	v46 =	vand.u32 $0x80000000, v34;
	vm5 =	vlt.f32 v34, $0.0e+00;
	v29 =	vmul.f32 v27, v21;
	v21 =	vmovc v24;
	v41 =	vld.idx.msk [tilespmem:v3+s17+$0x0], $0xffff;
	(pc) =	sbr.rel @p0 .LBB2_3-.Ltmp0, $4  }
0x9b: {  	v28 =	vand.u32 $0x3FFF, v38;
	v27 =	vshra.s32 v38, $0xE;
	v31 =	vmul.f32 $5.000000000e-01, v25;
	v42 =	vld.idx.msk [tilespmem:v12+s6+$0x0], $0xffff  }
0x9c: {  	v25 =	vshra.s32 v43, $0xE;
	v24 =	vand.u32 $0x3FFF, v43;
	v38 =	vsub.f32 v29, v36;
	v32 =	vld [tilespmem:s1+$0xFFFFFFE0]  }
0x9d: {  	v36 =	vmul.f32 $5.000000000e-01, v45;
	v29 =	vshra.s32 v30, $0xE;
	v30 =	vand.u32 $0x3FFF, v30;
	[tilespmem:v13+s16+$0x0] =	vst.idx.add.f32.msk vm3, v37  }
0x9e: {  	vm7 =	vgt.f32 v34, $0.0e+00;
	v44 =	vand.u32 $0x7FFFFFFF, v34;
	v43 =	vor.u32 v46, v0;
	[tilespmem:v5+s16+$0x0] =	vst.idx.add.f32.msk vm0, v31  }
0x9f: {  	_ =	sdelay $0x4  }
0xa0: {  	[tilespmem:v6+s16+$0x0] =	vst.idx.add.f32.msk vm2, v36  }
0xa1: {  	v33 =	vsub.f32 v33, v35;
	v56 =	vsub.f32 v40, v41;
	v58 =	vld.idx.msk [tilespmem:v25+s6+$0x0], $0xffff  }
0xa2: {  	vm4 =	vgt.f32 v44, v20;
	vm5 =	vmor vm7, vm5;
	v59 =	vld.idx.msk [tilespmem:v24+s6+$0x0], $0xffff;
	v38 =	vmul.f32 $5.000000000e-01, v38  }
0xa3: {  	v47 =	vld.idx.msk [tilespmem:v30+s6+$0x0], $0xffff;
	v39 =	vsub.f32 v39, v42;
	v57 =	vsel vm5, v43, v34;
	vm6 =	vlt.f32 v33, $0.0e+00  }
0xa4: {  	v61 =	vld.idx.msk [tilespmem:v29+s6+$0x0], $0xffff;
	v40 =	vand.u32 $0x80000000, v56;
	vm7 =	vlt.f32 v56, $0.0e+00;
	v20 =	vmul.f32 v57, v20  }
0xa5: {  	[tilespmem:v7+s16+$0x0] =	vst.idx.add.f32.msk vm3, v37;
	v45 =	vand.u32 $0x7FFFFFFF, v56;
	v62 =	vand.u32 $0x80000000, v33;
	vm3 =	vgt.f32 v33, $0.0e+00  }
0xa6: {  	v63 =	vld.idx.msk [tilespmem:v13+s17+$0x0], $0xffff;
	v54 =	vand.u32 $0x7FFFFFFF, v33;
	v42 =	vand.u32 $0x80000000, v39;
	vm5 =	vlt.f32 v39, $0.0e+00  }
0xa7: {  	v48 =	vld.idx.msk [tilespmem:v7+s17+$0x0], $0xffff;
	vm8 =	vgt.f32 v39, $0.0e+00;
	v46 =	vand.u32 $0x7FFFFFFF, v39;
	v40 =	vor.u32 v40, v0  }
0xa8: {  	[tilespmem:v16+s18+$0x0] =	vst.idx.add.f32.msk vm1, v38;
	v37 =	vor.u32 v62, v0;
	vm6 =	vmor vm3, vm6;
	vm3 =	vgt.f32 v45, v19  }
0xa9: {  	[tilespmem:v17+s18+$0x0] =	vst.idx.add.f32.msk vm1, v38;
	vm1 =	vgt.f32 v54, v22;
	v42 =	vor.u32 v42, v0;
	vm5 =	vmor vm8, vm5  }
0xaa: {  	v43 =	vld.idx.msk [tilespmem:v28+s6+$0x0], $0xffff;
	vm8 =	vgt.f32 v56, $0.0e+00;
	v20 =	vsub.f32 v20, v34;
	v52 =	vsel vm6, v37, v33  }
0xab: {  	v57 =	vld.idx.msk [tilespmem:v27+s6+$0x0], $0xffff;
	v42 =	vsel vm5, v42, v39;
	vm5 =	vgt.f32 v46, v32;
	vm7 =	vmor vm8, vm7  }
0xac: {  	v34 =	vmul.f32 v52, v22;
	v17 =	vsub.f32 v47, v61;
	v53 =	vsub.f32 v59, v58  }
0xad: {  	[tilespmem:v4+s16+$0x0] =	vst.idx.add.f32.msk vm0, v31;
	v60 =	vmul.f32 v42, v32;
	v40 =	vsel vm7, v40, v56;
	v16 =	vmul.f32 $5.000000000e-01, v20  }
0xae: {  	v58 =	vsub.f32 v63, v48;
	v40 =	vmul.f32 v40, v19;
	v22 =	vsub.f32 v34, v33  }
0xaf: {  	[tilespmem:v10+s16+$0x0] =	vst.idx.add.f32.msk vm2, v36;
	v55 =	vand.u32 $0x80000000, v17;
	vm6 =	vlt.f32 v53, $0.0e+00;
	vm7 =	vlt.f32 v17, $0.0e+00  }
0xb0: {  	v59 =	vld [tilespmem:s1+$0xFFFFFFF0];
	v36 =	vsub.f32 v43, v57;
	v61 =	vand.u32 $0x7FFFFFFF, v17;
	v19 =	vsub.f32 v60, v39  }
0xb1: {  	[tilespmem:v14+s18+$0x0] =	vst.idx.add.f32.msk vm4, v16;
	v14 =	vand.u32 $0x7FFFFFFF, v53;
	v33 =	vor.u32 v55, v0;
	vm8 =	vgt.f32 v58, $0.0e+00  }
0xb2: {  	v42 =	vld.idx.msk [tilespmem:v4+s17+$0x0], $0xffff;
	vm0 =	vlt.f32 v58, $0.0e+00;
	v20 =	vsub.f32 v40, v56;
	v56 =	vand.u32 $0x80000000, v53  }
0xb3: {  	[tilespmem:v15+s18+$0x0] =	vst.idx.add.f32.msk vm4, v16;
	vm4 =	vgt.f32 v17, $0.0e+00;
	v15 =	vmul.f32 $5.000000000e-01, v22;
	v16 =	vand.u32 $0x7FFFFFFF, v58  }
0xb4: {  	v60 =	vld.idx.msk [tilespmem:v6+s17+$0x0], $0xffff;
	v62 =	vand.u32 $0x80000000, v36;
	v63 =	vand.u32 $0x7FFFFFFF, v36;
	vm0 =	vmor vm8, vm0  }
0xb5: {  	v22 =	vld.idx.msk [tilespmem:v10+s17+$0x0], $0xffff;
	v19 =	vmul.f32 $5.000000000e-01, v19;
	v34 =	vor.u32 v56, v0;
	vm4 =	vmor vm4, vm7  }
0xb6: {  	vm2 =	vgt.f32 v16, v21;
	vm7 =	vgt.f32 v53, $0.0e+00;
	v16 =	vsel vm4, v33, v17;
	[tilespmem:v2+s18+$0x0] =	vst.idx.add.f32.msk vm1, v15  }
0xb7: {  	v39 =	vor.u32 v62, v0;
	v20 =	vmul.f32 $5.000000000e-01, v20;
	[tilespmem:v18+s16+$0x0] =	vst.idx.add.f32.msk vm5, v19;
	v16 =	vmul.f32 v16, v59  }
0xb8: {  	vm4 =	vmor vm7, vm6;
	vm6 =	vgt.f32 v36, $0.0e+00;
	[tilespmem:v12+s16+$0x0] =	vst.idx.add.f32.msk vm5, v19;
	vm5 =	vgt.f32 v61, v59  }
0xb9: {  	v19 =	vand.u32 $0x80000000, v58;
	[tilespmem:v11+s18+$0x0] =	vst.idx.add.f32.msk vm3, v20;
	v11 =	vsub.f32 v16, v17;
	v16 =	vsel vm4, v34, v53  }
0xba: {  	[tilespmem:v1+s18+$0x0] =	vst.idx.add.f32.msk vm1, v15;
	vm4 =	vlt.f32 v36, $0.0e+00;
	v22 =	vsub.f32 v60, v22;
	v19 =	vor.u32 v19, v0  }
0xbb: {  	[tilespmem:v3+s18+$0x0] =	vst.idx.add.f32.msk vm3, v20;
	v16 =	vmul.f32 v16, v23;
	vm4 =	vmor vm6, vm4;
	v19 =	vsel vm0, v19, v58  }
0xbc: {  	v17 =	vld.idx.msk [tilespmem:v18+s17+$0x0], $0xffff;
	vm6 =	vgt.f32 v63, v26;
	v31 =	vsel vm4, v39, v36;
	vm4 =	vgt.f32 v14, v23  }
0xbd: {  	v14 =	vld.idx.msk [tilespmem:v5+s17+$0x0], $0xffff;
	v11 =	vmul.f32 $5.000000000e-01, v11;
	v19 =	vmul.f32 v19, v21;
	v3 =	vand.u32 $0x80000000, v22  }
0xbe: {  	v43 =	vld.idx.msk [tilespmem:v12+s17+$0x0], $0xffff;
	vm3 =	vlt.f32 v22, $0.0e+00;
	vm7 =	vgt.f32 v22, $0.0e+00;
	v31 =	vmul.f32 v31, v26  }
0xbf: {  	v16 =	vsub.f32 v16, v53;
	v3 =	vor.u32 v3, v0;
	vm3 =	vmor vm7, vm3;
	[tilespmem:v30+s16+$0x0] =	vst.idx.add.f32.msk vm5, v11  }
0xc0: {  	v21 =	vand.u32 $0x7FFFFFFF, v22;
	v3 =	vsel vm3, v3, v22;
	v31 =	vsub.f32 v31, v36;
	[tilespmem:v29+s16+$0x0] =	vst.idx.add.f32.msk vm5, v11  }
0xc1: {  	vm0 =	vgt.f32 v21, v9;
	v16 =	vmul.f32 $5.000000000e-01, v16;
	v3 =	vmul.f32 v3, v9;
	v21 =	vld.idx.msk [tilespmem:v30+s17+$0x0], $0xffff  }
0xc2: {  	v19 =	vsub.f32 v19, v58;
	v20 =	vmul.f32 $5.000000000e-01, v31;
	v14 =	vsub.f32 v14, v42;
	v31 =	vld.idx.msk [tilespmem:v29+s17+$0x0], $0xffff  }
0xc3: {  	v17 =	vsub.f32 v17, v43;
	v3 =	vsub.f32 v3, v22;
	[tilespmem:v24+s16+$0x0] =	vst.idx.add.f32.msk vm4, v16  }
0xc4: {  	v11 =	vand.u32 $0x80000000, v14;
	vm5 =	vlt.f32 v14, $0.0e+00;
	vm7 =	vgt.f32 v14, $0.0e+00;
	[tilespmem:v28+s16+$0x0] =	vst.idx.add.f32.msk vm6, v20  }
0xc5: {  	v2 =	vand.u32 $0x7FFFFFFF, v17;
	[tilespmem:v25+s16+$0x0] =	vst.idx.add.f32.msk vm4, v16;
	vm3 =	vmor vm7, vm5;
	v11 =	vor.u32 v11, v0  }
0xc6: {  	vm5 =	vlt.f32 v17, $0.0e+00;
	[tilespmem:v27+s16+$0x0] =	vst.idx.add.f32.msk vm6, v20;
	v20 =	vand.u32 $0x80000000, v17;
	v9 =	vsel vm3, v11, v14  }
0xc7: {  	v16 =	vld.idx.msk [tilespmem:v24+s17+$0x0], $0xffff;
	v11 =	vmul.f32 $5.000000000e-01, v19;
	vm3 =	vgt.f32 v17, $0.0e+00;
	v9 =	vmul.f32 v9, v8  }
0xc8: {  	v19 =	vand.u32 $0x7FFFFFFF, v14;
	v22 =	vld.idx.msk [tilespmem:v27+s17+$0x0], $0xffff;
	v20 =	vor.u32 v20, v0;
	vm3 =	vmor vm3, vm5  }
0xc9: {  	v21 =	vsub.f32 v21, v31;
	v20 =	vsel vm3, v20, v17;
	v9 =	vsub.f32 v9, v14;
	v14 =	vld.idx.msk [tilespmem:v28+s17+$0x0], $0xffff  }
0xca: {  	vm1 =	vgt.f32 v2, v32;
	vm3 =	vgt.f32 v19, v8;
	v8 =	vmul.f32 v20, v32;
	v20 =	vld.idx.msk [tilespmem:v25+s17+$0x0], $0xffff  }
0xcb: {  	vm4 =	vgt.f32 v21, $0.0e+00;
	v19 =	vand.u32 $0x80000000, v21;
	vm5 =	vlt.f32 v21, $0.0e+00  }
0xcc: {  	v3 =	vmul.f32 $5.000000000e-01, v3;
	v19 =	vor.u32 v19, v0;
	vm4 =	vmor vm4, vm5  }
0xcd: {  	v1 =	vand.u32 $0x7FFFFFFF, v21;
	v8 =	vsub.f32 v8, v17;
	v17 =	vsel vm4, v19, v21  }
0xce: {  	[tilespmem:v13+s18+$0x0] =	vst.idx.add.f32.msk vm2, v11;
	v9 =	vmul.f32 $5.000000000e-01, v9;
	v2 =	vmul.f32 v17, v59;
	v14 =	vsub.f32 v14, v22  }
0xcf: {  	[tilespmem:v7+s18+$0x0] =	vst.idx.add.f32.msk vm2, v11;
	vm4 =	vgt.f32 v1, v59;
	v8 =	vmul.f32 $5.000000000e-01, v8;
	v7 =	vsub.f32 v16, v20  }
0xd0: {  	[tilespmem:v6+s18+$0x0] =	vst.idx.add.f32.msk vm0, v3;
	v2 =	vsub.f32 v2, v21;
	v1 =	vand.u32 $0x80000000, v14;
	vm2 =	vlt.f32 v14, $0.0e+00  }
0xd1: {  	[tilespmem:v10+s18+$0x0] =	vst.idx.add.f32.msk vm0, v3;
	v6 =	vand.u32 $0x7FFFFFFF, v14;
	vm5 =	vgt.f32 v14, $0.0e+00;
	v3 =	vand.u32 $0x80000000, v7  }
0xd2: {  	v1 =	vor.u32 v1, v0;
	vm0 =	vgt.f32 v6, v26;
	vm2 =	vmor vm5, vm2  }
0xd3: {  	[tilespmem:v5+s18+$0x0] =	vst.idx.add.f32.msk vm3, v9;
	vm5 =	vlt.f32 v7, $0.0e+00;
	v1 =	vsel vm2, v1, v14;
	vm2 =	vgt.f32 v7, $0.0e+00  }
0xd4: {  	[tilespmem:v4+s18+$0x0] =	vst.idx.add.f32.msk vm3, v9;
	v3 =	vor.u32 v3, v0;
	v1 =	vmul.f32 v1, v26;
	vm2 =	vmor vm2, vm5  }
0xd5: {  	[tilespmem:v18+s18+$0x0] =	vst.idx.add.f32.msk vm1, v8;
	v2 =	vmul.f32 $5.000000000e-01, v2;
	v4 =	vand.u32 $0x7FFFFFFF, v7;
	v3 =	vsel vm2, v3, v7  }
0xd6: {  	vm2 =	vgt.f32 v4, v23;
	v1 =	vsub.f32 v1, v14;
	v3 =	vmul.f32 v3, v23  }
0xd7: {  	[tilespmem:v12+s18+$0x0] =	vst.idx.add.f32.msk vm1, v8  }
0xd8: {  	[tilespmem:v30+s18+$0x0] =	vst.idx.add.f32.msk vm4, v2;
	v1 =	vmul.f32 $5.000000000e-01, v1;
	v3 =	vsub.f32 v3, v7  }
0xd9: {  	[tilespmem:v29+s18+$0x0] =	vst.idx.add.f32.msk vm4, v2  }
0xda: {  	[tilespmem:v28+s18+$0x0] =	vst.idx.add.f32.msk vm0, v1;
	v2 =	vmul.f32 $5.000000000e-01, v3  }
0xdb: {  	[tilespmem:v27+s18+$0x0] =	vst.idx.add.f32.msk vm0, v1  }
0xdc: {  	[tilespmem:v24+s18+$0x0] =	vst.idx.add.f32.msk vm2, v2  }
0xdd: {  	[tilespmem:v25+s18+$0x0] =	vst.idx.add.f32.msk vm2, v2  }
0xde: {  	_ =	swait.ge [sflag:s23], $0x1F40  }
0xdf: {  	s10 =	sshll.u32 s4, $0x1;
	[sflag:s23] =	ssyncset.done $0x0  }
0xe0: {  	p0 =	seq.s32 s4, $0x9;
	s1 =	sadd.s32 $0x2, s10;
	[sflag:s23] =	ssyncadd.s32 $0xFFFFE0C0  }
0xe1: {  	s10 =	smul.u32 @!p0 $0x3E8, s1;
	_ =	swait.ge [sflag:s23], $0x1F40  }
0xe2: {  	s13 =	simm.s32 @!p0 $0x0;
	[sflag:s23] =	ssyncset.done $0x0  }
0xe3: {  	s14 =	simm.s32 @!p0 $0x9E00;
	s11 =	sadd.s32 @!p0 s0, s10;
	[sflag:s23] =	ssyncadd.s32 $0xFFFFE0C0  }
0xe4: {  	[tilespmem:s14], [sflag:$0x1] =	stream.linear.gather @!p0 [hbm4b:s11+s13], $0x1F40, $0x38;
	[tilespmem:$0x19A00] =	vst v63  }
0xe5: {  	s10 =	sadd.s32 @!p0 s2, s10;
	s11 =	simm.s32 @!p0 $0xBD80  }
0xe6: {  	[tilespmem:s11], [sflag:$0x1] =	stream.linear.gather @!p0 [hbm4b:s10+s13], $0x1F40, $0x38;
	[tilespmem:$0x19A00] =	vst v63  }
0xe7: {  	p0 =	sne.s32 s1, $0x14  }
0xe8: {  	s1 =	simm.s32 @!p0 $0x0;
	s10 =	simm.s32 @!p0 $0x9E00  }
0xe9: {  	[tilespmem:s10], [sflag:$0x1] =	stream.linear.gather @!p0 [hbm4b:s0+s1], $0x1F40, $0x38;
	[tilespmem:$0x19A00] =	vst v63  }
0xea: {  	s11 =	simm.s32 $0xDD20;
	s10 =	simm.s32 @!p0 $0xBD80  }
0xeb: {  	[tilespmem:s10], [sflag:$0x1] =	stream.linear.gather @!p0 [hbm4b:s3+s1], $0x1F40, $0x38;
	[tilespmem:$0x19A00] =	vst v63  }
0xec: {  	v1 =	vld [tilespmem:s11+$0xFFFFFFE0];
	_ =	sdelay $0x3  }
0xed: {  	v2 =	vld [tilespmem:s11+$0xFFFFFFF0]  }
0xee: {  	v23 =	vand.u32 $0x3FFF, v1;
	v18 =	vshra.s32 v1, $0xE;
	v1 =	vld [tilespmem:s11+$0x0];
	_ =	sdelay $0x3  }
0xef: {  	v6 =	vld [tilespmem:s11+$0x10];
	v17 =	vshra.s32 v2, $0xE  }
0xf0: {  	v4 =	vld.idx.msk [tilespmem:v23+s6+$0x0], $0xffff;
	v3 =	vshra.s32 v1, $0xE  }
0xf1: {  	v16 =	vand.u32 $0x3FFF, v2;
	v5 =	vld.idx.msk [tilespmem:v18+s6+$0x0], $0xffff  }
0xf2: {  	s13 =	simm.s32 $0xFCA0;
	v11 =	vand.u32 $0x3FFF, v1  }
0xf3: {  	v12 =	vld [tilespmem:s13+$0xFFFFFFE0]  }
0xf4: {  	v7 =	vld.idx.msk [tilespmem:v17+s6+$0x0], $0xffff  }
0xf5: {  	v2 =	vld.idx.msk [tilespmem:v3+s6+$0x0], $0xffff  }
0xf6: {  	v14 =	vand.u32 $0x3FFF, v6;
	v1 =	vsub.f32 v4, v5;
	v4 =	vld.idx.msk [tilespmem:v16+s6+$0x0], $0xffff  }
0xf7: {  	v15 =	vshra.s32 v6, $0xE;
	v6 =	vld.idx.msk [tilespmem:v11+s6+$0x0], $0xffff  }
0xf8: {  	v5 =	vand.u32 $0x80000000, v1;
	vm0 =	vlt.f32 v1, $0.0e+00;
	vm1 =	vgt.f32 v1, $0.0e+00  }
0xf9: {  	v20 =	vld [tilespmem:s13+$0x10];
	v5 =	vor.u32 v5, v0;
	vm0 =	vmor vm1, vm0  }
0xfa: {  	v24 =	vld [tilespmem:s13+$0xFFFFFFF0];
	v8 =	vand.u32 $0x7FFFFFFF, v1;
	v5 =	vsel vm0, v5, v1  }
0xfb: {  	vm0 =	vgt.f32 v8, v12;
	v8 =	vld.idx.msk [tilespmem:v14+s6+$0x0], $0xffff;
	v5 =	vmul.f32 v5, v12  }
0xfc: {  	s14 =	simm.s32 $0xDD60;
	v4 =	vsub.f32 v4, v7;
	v6 =	vsub.f32 v6, v2;
	v2 =	vld.idx.msk [tilespmem:v15+s6+$0x0], $0xffff  }
0xfd: {  	v1 =	vsub.f32 v5, v1;
	v5 =	vld [tilespmem:s14+$0xFFFFFFE0]  }
0xfe: {  	v19 =	vld [tilespmem:s13+$0x0];
	v7 =	vand.u32 $0x80000000, v4  }
0xff: {  	v26 =	vld [tilespmem:s14+$0x10];
	v9 =	vand.u32 $0x80000000, v6;
	vm1 =	vlt.f32 v6, $0.0e+00;
	v1 =	vmul.f32 $5.000000000e-01, v1  }
0x100: {  	v27 =	vld [tilespmem:s14+$0x0];
	vm2 =	vlt.f32 v4, $0.0e+00;
	v10 =	vand.u32 $0x7FFFFFFF, v6;
	v7 =	vor.u32 v7, v0  }
0x101: {  	vm3 =	vgt.f32 v4, $0.0e+00;
	v13 =	vor.u32 v9, v0;
	v22 =	vsub.f32 v8, v2;
	[tilespmem:v23+s16+$0x0] =	vst.idx.add.f32.msk vm0, v1  }
0x102: {  	[tilespmem:v18+s16+$0x0] =	vst.idx.add.f32.msk vm0, v1;
	v1 =	vshra.s32 v5, $0xE;
	vm0 =	vmor vm3, vm2;
	v2 =	vand.u32 $0x3FFF, v5  }
0x103: {  	v28 =	vld [tilespmem:s14+$0xFFFFFFF0];
	s14 =	simm.s32 $0xDDA0;
	v8 =	vand.u32 $0x7FFFFFFF, v22;
	vm3 =	vlt.f32 v22, $0.0e+00;
	v7 =	vsel vm0, v7, v4  }
0x104: {  	v50 =	vld [tilespmem:s14+$0xFFFFFFE0];
	vm0 =	vgt.f32 v6, $0.0e+00;
	v5 =	vmul.f32 v7, v24;
	v7 =	vand.u32 $0x7FFFFFFF, v4  }
0x105: {  	v61 =	vld [tilespmem:s14+$0xFFFFFFF0];
	vm0 =	vmor vm0, vm1;
	vm1 =	vgt.f32 v22, $0.0e+00;
	vm2 =	vgt.f32 v7, v24  }
0x106: {  	v21 =	vld.idx.msk [tilespmem:v23+s17+$0x0], $0xffff;
	v7 =	vand.u32 $0x80000000, v22;
	v13 =	vsel vm0, v13, v6;
	vm0 =	vmor vm1, vm3  }
0x107: {  	s15 =	simm.s32 $0xFCE0;
	v25 =	vld.idx.msk [tilespmem:v18+s17+$0x0], $0xffff;
	vm1 =	vgt.f32 v8, v20;
	v7 =	vor.u32 v7, v0;
	v13 =	vmul.f32 v13, v19  }
0x108: {  	v8 =	vld [tilespmem:s15+$0x0];
	v4 =	vsub.f32 v5, v4;
	v7 =	vsel vm0, v7, v22;
	vm0 =	vgt.f32 v10, v19  }
0x109: {  	v10 =	vld.idx.msk [tilespmem:v2+s6+$0x0], $0xffff;
	v5 =	vmul.f32 v7, v20  }
0x10a: {  	v7 =	vld.idx.msk [tilespmem:v1+s6+$0x0], $0xffff;
	v13 =	vsub.f32 v13, v6;
	v29 =	vmul.f32 $5.000000000e-01, v4;
	v4 =	vshra.s32 v27, $0xE  }
0x10b: {  	v5 =	vsub.f32 v5, v22;
	v22 =	vld [tilespmem:s15+$0xFFFFFFE0]  }
0x10c: {  	v30 =	vmul.f32 $5.000000000e-01, v13;
	[tilespmem:v16+s16+$0x0] =	vst.idx.add.f32.msk vm2, v29  }
0x10d: {  	[tilespmem:v17+s16+$0x0] =	vst.idx.add.f32.msk vm2, v29  }
0x10e: {  	[tilespmem:v11+s16+$0x0] =	vst.idx.add.f32.msk vm0, v30  }
0x10f: {  	v13 =	vand.u32 $0x3FFF, v28;
	v10 =	vsub.f32 v10, v7;
	v7 =	vshra.s32 v28, $0xE;
	v28 =	vld.idx.msk [tilespmem:v4+s6+$0x0], $0xffff  }
0x110: {  	v31 =	vmul.f32 $5.000000000e-01, v5;
	v45 =	vld.idx.msk [tilespmem:v16+s17+$0x0], $0xffff  }
0x111: {  	v5 =	vand.u32 $0x3FFF, v27;
	v47 =	vld.idx.msk [tilespmem:v17+s17+$0x0], $0xffff  }
0x112: {  	v6 =	vand.u32 $0x3FFF, v26;
	v21 =	vsub.f32 v21, v25;
	[tilespmem:v14+s16+$0x0] =	vst.idx.add.f32.msk vm1, v31  }
0x113: {  	v44 =	vand.u32 $0x80000000, v10;
	vm3 =	vlt.f32 v10, $0.0e+00;
	vm4 =	vgt.f32 v10, $0.0e+00;
	[tilespmem:v15+s16+$0x0] =	vst.idx.add.f32.msk vm1, v31  }
0x114: {  	v29 =	vand.u32 $0x7FFFFFFF, v10;
	v32 =	vor.u32 v44, v0;
	vm3 =	vmor vm4, vm3;
	v53 =	vld.idx.msk [tilespmem:v15+s17+$0x0], $0xffff  }
0x115: {  	v48 =	vand.u32 $0x80000000, v21;
	vm2 =	vgt.f32 v29, v22;
	v56 =	vld.idx.msk [tilespmem:v14+s17+$0x0], $0xffff;
	v32 =	vsel vm3, v32, v10  }
0x116: {  	vm4 =	vgt.f32 v21, $0.0e+00;
	v25 =	vld.idx.msk [tilespmem:v5+s6+$0x0], $0xffff;
	vm3 =	vlt.f32 v21, $0.0e+00;
	v29 =	vmul.f32 v32, v22  }
0x117: {  	v49 =	vand.u32 $0x7FFFFFFF, v21;
	v35 =	vor.u32 v48, v0;
	[tilespmem:v3+s16+$0x0] =	vst.idx.add.f32.msk vm0, v30;
	vm1 =	vmor vm4, vm3  }
0x118: {  	v30 =	vand.u32 $0x3FFF, v61;
	v46 =	vld.idx.msk [tilespmem:v13+s6+$0x0], $0xffff;
	v31 =	vsel vm1, v35, v21;
	v29 =	vsub.f32 v29, v10  }
0x119: {  	v51 =	vsub.f32 v45, v47;
	v10 =	vshra.s32 v26, $0xE;
	v26 =	vld.idx.msk [tilespmem:v7+s6+$0x0], $0xffff;
	v31 =	vmul.f32 v31, v12  }
0x11a: {  	v27 =	vld.idx.msk [tilespmem:v6+s6+$0x0], $0xffff;
	vm3 =	vgt.f32 v49, v12;
	v34 =	vsub.f32 v56, v53;
	v29 =	vmul.f32 $5.000000000e-01, v29  }
0x11b: {  	v55 =	vand.u32 $0x7FFFFFFF, v51;
	v25 =	vsub.f32 v25, v28;
	v12 =	vsub.f32 v31, v21;
	v21 =	vld [tilespmem:s15+$0xFFFFFFF0]  }
0x11c: {  	vm1 =	vgt.f32 v55, v24;
	v63 =	vand.u32 $0x80000000, v34;
	v44 =	vand.u32 $0x7FFFFFFF, v34;
	[tilespmem:v2+s16+$0x0] =	vst.idx.add.f32.msk vm2, v29  }
0x11d: {  	vm7 =	vgt.f32 v34, $0.0e+00;
	v31 =	vand.u32 $0x80000000, v25;
	vm4 =	vlt.f32 v25, $0.0e+00;
	[tilespmem:v1+s16+$0x0] =	vst.idx.add.f32.msk vm2, v29  }
0x11e: {  	v52 =	vmul.f32 $5.000000000e-01, v12;
	v54 =	vand.u32 $0x7FFFFFFF, v25;
	v29 =	vsub.f32 v46, v26;
	v26 =	vld.idx.msk [tilespmem:v10+s6+$0x0], $0xffff  }
0x11f: {  	v9 =	vld [tilespmem:s15+$0x10];
	v12 =	vshra.s32 v50, $0xE;
	v31 =	vor.u32 v31, v0;
	vm0 =	vgt.f32 v54, v8  }
0x120: {  	v57 =	vld [tilespmem:s14+$0x10];
	v28 =	vand.u32 $0x80000000, v29;
	vm2 =	vlt.f32 v29, $0.0e+00;
	vm5 =	vgt.f32 v29, $0.0e+00  }
0x121: {  	v60 =	vld [tilespmem:s14+$0x0];
	v28 =	vor.u32 v28, v0;
	vm2 =	vmor vm5, vm2;
	vm5 =	vgt.f32 v25, $0.0e+00  }
0x122: {  	[tilespmem:v23+s18+$0x0] =	vst.idx.add.f32.msk vm3, v52;
	v23 =	vsel vm2, v28, v29;
	vm2 =	vgt.f32 v51, $0.0e+00;
	vm4 =	vmor vm5, vm4  }
0x123: {  	[tilespmem:v18+s18+$0x0] =	vst.idx.add.f32.msk vm3, v52;
	v27 =	vsub.f32 v27, v26;
	v18 =	vmul.f32 v23, v21;
	v23 =	vand.u32 $0x7FFFFFFF, v29  }
0x124: {  	s1 =	simm.s32 $0xFD20;
	v41 =	vld.idx.msk [tilespmem:v3+s17+$0x0], $0xffff;
	v28 =	vand.u32 $0x80000000, v51;
	v31 =	vsel vm4, v31, v25;
	vm3 =	vgt.f32 v23, v21  }
0x125: {  	v32 =	vld [tilespmem:s1+$0xFFFFFFE0];
	v31 =	vmul.f32 v31, v8;
	v58 =	vand.u32 $0x80000000, v27;
	vm5 =	vgt.f32 v27, $0.0e+00  }
0x126: {  	v33 =	vld.idx.msk [tilespmem:v2+s17+$0x0], $0xffff;
	v29 =	vsub.f32 v18, v29;
	v59 =	vand.u32 $0x7FFFFFFF, v27;
	vm6 =	vlt.f32 v27, $0.0e+00  }
0x127: {  	v35 =	vld.idx.msk [tilespmem:v1+s17+$0x0], $0xffff;
	v18 =	vand.u32 $0x3FFF, v50;
	vm4 =	vmor vm5, vm6;
	v40 =	vor.u32 v58, v0  }
0x128: {  	v42 =	vld.idx.msk [tilespmem:v12+s6+$0x0], $0xffff;
	v40 =	vsel vm4, v40, v27;
	v37 =	vmul.f32 $5.000000000e-01, v29;
	vm4 =	vlt.f32 v51, $0.0e+00  }
0x129: {  	v26 =	vld [tilespmem:s1+$0x10];
	v29 =	vmul.f32 v40, v9;
	vm4 =	vmor vm2, vm4;
	vm2 =	vgt.f32 v59, v9  }
0x12a: {  	v43 =	vor.u32 v63, v0;
	v28 =	vor.u32 v28, v0;
	v23 =	vld [tilespmem:s1+$0x0];
	v25 =	vsub.f32 v31, v25  }
0x12b: {  	v40 =	vld.idx.msk [tilespmem:v11+s17+$0x0], $0xffff;
	v62 =	vsub.f32 v29, v27;
	v27 =	vsel vm4, v28, v51;
	v28 =	vand.u32 $0x3FFF, v57  }
0x12c: {  	v31 =	vmul.f32 $5.000000000e-01, v25;
	v25 =	vshra.s32 v60, $0xE;
	v39 =	vld.idx.msk [tilespmem:v18+s6+$0x0], $0xffff;
	v29 =	vmul.f32 v27, v24  }
0x12d: {  	vm5 =	vlt.f32 v34, $0.0e+00;
	[tilespmem:v13+s16+$0x0] =	vst.idx.add.f32.msk vm3, v37;
	v27 =	vshra.s32 v57, $0xE;
	v36 =	vmul.f32 $5.000000000e-01, v62  }
0x12e: {  	s15 =	simm.s32 $0x80;
	[tilespmem:v5+s16+$0x0] =	vst.idx.add.f32.msk vm0, v31;
	v24 =	vand.u32 $0x3FFF, v60;
	v38 =	vsub.f32 v29, v51;
	v29 =	vshra.s32 v61, $0xE  }
.LBB2_5:
0x12f: {  	s15 =	sadd.s32 $0x40, s15;
	v33 =	vsub.f32 v33, v35;
	[tilespmem:v6+s16+$0x0] =	vst.idx.add.f32.msk vm2, v36  }
0x130: {  	v40 =	vsub.f32 v40, v41;
	vm4 =	vgt.f32 v44, v20;
	p0 =	slt.u32 s15, $0x1F00;
	v35 =	vld.idx.msk [tilespmem:v28+s6+$0x0], $0xffff  }
0x131: {  	vm5 =	vmor vm7, vm5;
	v39 =	vsub.f32 v39, v42;
	v41 =	vld.idx.msk [tilespmem:v25+s6+$0x0], $0xffff;
	vm6 =	vlt.f32 v33, $0.0e+00  }
0x132: {  	v42 =	vsel vm5, v43, v34;
	[tilespmem:v7+s16+$0x0] =	vst.idx.add.f32.msk vm3, v37;
	v37 =	vand.u32 $0x80000000, v40;
	vm3 =	vlt.f32 v40, $0.0e+00  }
0x133: {  	v42 =	vmul.f32 v42, v20;
	v20 =	vmovc v9;
	v9 =	vmovc v26;
	v43 =	vand.u32 $0x80000000, v39;
	vm5 =	vlt.f32 v39, $0.0e+00;
	v44 =	vld.idx.msk [tilespmem:v13+s17+$0x0], $0xffff  }
0x134: {  	vm8 =	vgt.f32 v40, $0.0e+00;
	vm7 =	vgt.f32 v39, $0.0e+00;
	v26 =	vor.u32 v43, v0;
	v43 =	vld.idx.msk [tilespmem:v24+s6+$0x0], $0xffff  }
0x135: {  	v38 =	vmul.f32 $5.000000000e-01, v38;
	v46 =	vand.u32 $0x7FFFFFFF, v40;
	vm5 =	vmor vm7, vm5;
	v45 =	vld.idx.msk [tilespmem:v7+s17+$0x0], $0xffff  }
0x136: {  	v47 =	vand.u32 $0x7FFFFFFF, v39;
	v34 =	vsub.f32 v42, v34;
	v26 =	vsel vm5, v26, v39;
	v48 =	vld.idx.msk [tilespmem:v30+s6+$0x0], $0xffff  }
0x137: {  	vm7 =	vmor vm8, vm3;
	vm5 =	vgt.f32 v47, v32;
	v26 =	vmul.f32 v26, v32;
	[tilespmem:v16+s18+$0x0] =	vst.idx.add.f32.msk vm1, v38  }
0x138: {  	vm3 =	vgt.f32 v46, v19;
	v37 =	vor.u32 v37, v0;
	v47 =	vand.u32 $0x80000000, v33;
	v16 =	vmovc v13;
	v42 =	vld.idx.msk [tilespmem:v29+s6+$0x0], $0xffff  }
0x139: {  	v13 =	vsub.f32 v26, v39;
	v26 =	vmul.f32 $5.000000000e-01, v34;
	[tilespmem:v17+s18+$0x0] =	vst.idx.add.f32.msk vm1, v38;
	v17 =	vsel vm7, v37, v40  }
0x13a: {  	v34 =	vor.u32 v47, v0;
	vm1 =	vgt.f32 v33, $0.0e+00;
	[tilespmem:v10+s16+$0x0] =	vst.idx.add.f32.msk vm2, v36;
	v37 =	vmul.f32 v17, v19  }
0x13b: {  	v36 =	vmul.f32 $5.000000000e-01, v13;
	vm1 =	vmor vm1, vm6;
	v19 =	vmovc v8;
	v8 =	vmovc v23;
	[tilespmem:v14+s18+$0x0] =	vst.idx.add.f32.msk vm4, v26;
	v14 =	vmov v6  }
0x13c: {  	v34 =	vsel vm1, v34, v33;
	v37 =	vsub.f32 v37, v40;
	[tilespmem:v15+s18+$0x0] =	vst.idx.add.f32.msk vm4, v26;
	v15 =	vmov v10  }
0x13d: {  	s14 =	sadd.s32 $0x40, s14;
	v6 =	vmovc v28;
	v23 =	vmul.f32 v34, v22;
	v10 =	vmov v27;
	v17 =	vmov v7;
	[tilespmem:v18+s16+$0x0] =	vst.idx.add.f32.msk vm5, v36  }
0x13e: {  	v13 =	vmov v30;
	v7 =	vmov v29;
	v27 =	vld [tilespmem:s14+$0xFFFFFFE0];
	v26 =	vmul.f32 $5.000000000e-01, v37  }
0x13f: {  	v30 =	vand.u32 $0x7FFFFFFF, v33;
	v29 =	vsub.f32 v43, v41;
	v28 =	vsub.f32 v48, v42;
	[tilespmem:v12+s16+$0x0] =	vst.idx.add.f32.msk vm5, v36  }
0x140: {  	vm4 =	vgt.f32 v30, v22;
	v22 =	vmov v32;
	v23 =	vsub.f32 v23, v33;
	[tilespmem:v11+s18+$0x0] =	vst.idx.add.f32.msk vm3, v26  }
0x141: {  	v32 =	vand.u32 $0x80000000, v29;
	v30 =	vand.u32 $0x80000000, v28;
	vm5 =	vlt.f32 v29, $0.0e+00;
	[tilespmem:v3+s18+$0x0] =	vst.idx.add.f32.msk vm3, v26;
	v3 =	vmovc v4;
	v4 =	vmovc v25  }
0x142: {  	vm2 =	vlt.f32 v28, $0.0e+00;
	v36 =	vsub.f32 v44, v45;
	v11 =	vmovc v5;
	v5 =	vmovc v24;
	v25 =	vand.u32 $0x7FFFFFFF, v29;
	v26 =	vld.idx.msk [tilespmem:v10+s6+$0x0], $0xffff  }
0x143: {  	v32 =	vor.u32 v32, v0;
	v30 =	vor.u32 v30, v0;
	v24 =	vld [tilespmem:s1+$0xFFFFFFF0]  }
0x144: {  	v23 =	vmul.f32 $5.000000000e-01, v23;
	vm3 =	vgt.f32 v28, $0.0e+00;
	v34 =	vand.u32 $0x7FFFFFFF, v36;
	v37 =	vld.idx.msk [tilespmem:v15+s17+$0x0], $0xffff  }
0x145: {  	vm1 =	vgt.f32 v34, v21;
	v38 =	vshra.s32 v27, $0xE;
	v33 =	vld.idx.msk [tilespmem:v18+s17+$0x0], $0xffff  }
0x146: {  	vm2 =	vmor vm3, vm2;
	vm3 =	vgt.f32 v29, $0.0e+00;
	[tilespmem:v2+s18+$0x0] =	vst.idx.add.f32.msk vm4, v23;
	v2 =	vmov v18  }
0x147: {  	v18 =	vsel vm2, v30, v28;
	vm2 =	vgt.f32 v36, $0.0e+00;
	v30 =	vld.idx.msk [tilespmem:v14+s17+$0x0], $0xffff  }
0x148: {  	vm5 =	vmor vm3, vm5;
	v41 =	vsub.f32 v35, v26;
	v18 =	vmul.f32 v18, v24;
	[tilespmem:v1+s18+$0x0] =	vst.idx.add.f32.msk vm4, v23  }
0x149: {  	v39 =	vand.u32 $0x80000000, v36;
	v23 =	vand.u32 $0x7FFFFFFF, v28;
	v1 =	vmovc v12;
	v35 =	vld.idx.msk [tilespmem:v12+s17+$0x0], $0xffff;
	v12 =	vmov v38  }
0x14a: {  	s1 =	sadd.s32 $0x40, s1;
	vm3 =	vgt.f32 v23, v24;
	v34 =	vand.u32 $0x80000000, v41;
	vm4 =	vgt.f32 v41, $0.0e+00;
	v38 =	vld [tilespmem:s14+$0x10]  }
0x14b: {  	v42 =	vand.u32 $0x7FFFFFFF, v41;
	vm6 =	vlt.f32 v41, $0.0e+00;
	v28 =	vsub.f32 v18, v28;
	v26 =	vld [tilespmem:s1+$0x10]  }
0x14c: {  	v18 =	vand.u32 $0x3FFF, v27;
	v27 =	vsel vm5, v32, v29;
	vm4 =	vmor vm4, vm6;
	v43 =	vld [tilespmem:s14+$0x0]  }
0x14d: {  	v32 =	vor.u32 v34, v0;
	v27 =	vmul.f32 v27, v8;
	v34 =	vsub.f32 v30, v37;
	v23 =	vld [tilespmem:s1+$0x0]  }
0x14e: {  	v44 =	vor.u32 v39, v0;
	v32 =	vsel vm4, v32, v41;
	v30 =	vld [tilespmem:s14+$0xFFFFFFF0]  }
0x14f: {  	vm4 =	vlt.f32 v36, $0.0e+00;
	v37 =	vmul.f32 $5.000000000e-01, v28;
	v28 =	vmul.f32 v32, v9;
	[tilespmem:v3+s16+$0x0] =	vst.idx.add.f32.msk vm0, v31  }
0x150: {  	vm4 =	vmor vm2, vm4;
	vm0 =	vgt.f32 v25, v8;
	v25 =	vsub.f32 v27, v29;
	v40 =	vld.idx.msk [tilespmem:v11+s17+$0x0], $0xffff  }
0x151: {  	vm2 =	vgt.f32 v42, v9;
	v45 =	vsub.f32 v28, v41;
	v27 =	vsel vm4, v44, v36;
	v39 =	vld.idx.msk [tilespmem:v18+s6+$0x0], $0xffff  }
.Ltmp1:
0x152: {  	v46 =	vand.u32 $0x80000000, v34;
	vm5 =	vlt.f32 v34, $0.0e+00;
	v29 =	vmul.f32 v27, v21;
	v21 =	vmovc v24;
	v41 =	vld.idx.msk [tilespmem:v3+s17+$0x0], $0xffff;
	(pc) =	sbr.rel @p0 .LBB2_5-.Ltmp1, $4  }
0x153: {  	v28 =	vand.u32 $0x3FFF, v38;
	v27 =	vshra.s32 v38, $0xE;
	v31 =	vmul.f32 $5.000000000e-01, v25;
	v42 =	vld.idx.msk [tilespmem:v12+s6+$0x0], $0xffff  }
0x154: {  	v25 =	vshra.s32 v43, $0xE;
	v24 =	vand.u32 $0x3FFF, v43;
	v38 =	vsub.f32 v29, v36;
	v32 =	vld [tilespmem:s1+$0xFFFFFFE0]  }
0x155: {  	v36 =	vmul.f32 $5.000000000e-01, v45;
	v29 =	vshra.s32 v30, $0xE;
	v30 =	vand.u32 $0x3FFF, v30;
	[tilespmem:v13+s16+$0x0] =	vst.idx.add.f32.msk vm3, v37  }
0x156: {  	vm7 =	vgt.f32 v34, $0.0e+00;
	v44 =	vand.u32 $0x7FFFFFFF, v34;
	v43 =	vor.u32 v46, v0;
	[tilespmem:v5+s16+$0x0] =	vst.idx.add.f32.msk vm0, v31  }
0x157: {  	_ =	sdelay $0x4  }
0x158: {  	[tilespmem:v6+s16+$0x0] =	vst.idx.add.f32.msk vm2, v36  }
0x159: {  	v55 =	vld.idx.msk [tilespmem:v25+s6+$0x0], $0xffff  }
0x15a: {  	v56 =	vld.idx.msk [tilespmem:v24+s6+$0x0], $0xffff  }
0x15b: {  	v33 =	vsub.f32 v33, v35;
	v52 =	vsub.f32 v40, v41;
	v47 =	vld.idx.msk [tilespmem:v30+s6+$0x0], $0xffff  }
0x15c: {  	vm4 =	vgt.f32 v44, v20;
	vm5 =	vmor vm7, vm5;
	v38 =	vmul.f32 $5.000000000e-01, v38;
	v58 =	vld.idx.msk [tilespmem:v29+s6+$0x0], $0xffff  }
0x15d: {  	[tilespmem:v7+s16+$0x0] =	vst.idx.add.f32.msk vm3, v37;
	v39 =	vsub.f32 v39, v42;
	v53 =	vsel vm5, v43, v34;
	vm6 =	vlt.f32 v33, $0.0e+00  }
0x15e: {  	v50 =	vld.idx.msk [tilespmem:v27+s6+$0x0], $0xffff;
	v40 =	vand.u32 $0x80000000, v52;
	vm15 =	vlt.f32 v52, $0.0e+00;
	v54 =	vmul.f32 v53, v20  }
0x15f: {  	v43 =	vld.idx.msk [tilespmem:v28+s6+$0x0], $0xffff;
	vm13 =	vgt.f32 v52, $0.0e+00;
	v45 =	vand.u32 $0x7FFFFFFF, v52;
	v59 =	vand.u32 $0x80000000, v33  }
0x160: {  	v60 =	vld.idx.msk [tilespmem:v13+s17+$0x0], $0xffff;
	vm14 =	vgt.f32 v33, $0.0e+00;
	v44 =	vand.u32 $0x7FFFFFFF, v33;
	v42 =	vand.u32 $0x80000000, v39  }
0x161: {  	v48 =	vld.idx.msk [tilespmem:v7+s17+$0x0], $0xffff;
	vm12 =	vlt.f32 v39, $0.0e+00;
	vm8 =	vgt.f32 v39, $0.0e+00;
	v46 =	vand.u32 $0x7FFFFFFF, v39  }
0x162: {  	[tilespmem:v16+s18+$0x0] =	vst.idx.add.f32.msk vm1, v38;
	vm7 =	vmor vm13, vm15;
	v40 =	vor.u32 v40, v0;
	v37 =	vor.u32 v59, v0  }
0x163: {  	vm6 =	vmor vm14, vm6;
	vm3 =	vgt.f32 v45, v19;
	[tilespmem:v17+s18+$0x0] =	vst.idx.add.f32.msk vm1, v38;
	vm1 =	vgt.f32 v44, v22  }
0x164: {  	[tilespmem:v4+s16+$0x0] =	vst.idx.add.f32.msk vm0, v31;
	v42 =	vor.u32 v42, v0;
	vm5 =	vmor vm8, vm12;
	v20 =	vsub.f32 v54, v34  }
0x165: {  	v40 =	vsel vm7, v40, v52;
	v62 =	vsel vm6, v37, v33;
	v42 =	vsel vm5, v42, v39  }
0x166: {  	vm5 =	vgt.f32 v46, v32;
	v40 =	vmul.f32 v40, v19;
	v34 =	vmul.f32 v62, v22  }
0x167: {  	v35 =	vsub.f32 v56, v55;
	v57 =	vmul.f32 v42, v32;
	v42 =	vsub.f32 v47, v58  }
0x168: {  	[tilespmem:v10+s16+$0x0] =	vst.idx.add.f32.msk vm2, v36;
	v63 =	vmul.f32 $5.000000000e-01, v20;
	v51 =	vsub.f32 v60, v48;
	v36 =	vsub.f32 v43, v50  }
0x169: {  	v38 =	vld [tilespmem:s1+$0xFFFFFFF0];
	v40 =	vsub.f32 v40, v52;
	v45 =	vsub.f32 v34, v33;
	v49 =	vand.u32 $0x80000000, v35  }
0x16a: {  	v44 =	vld.idx.msk [tilespmem:v4+s17+$0x0], $0xffff;
	vm15 =	vlt.f32 v35, $0.0e+00;
	v52 =	vand.u32 $0x7FFFFFFF, v35;
	vm13 =	vgt.f32 v35, $0.0e+00  }
0x16b: {  	v54 =	vld.idx.msk [tilespmem:v10+s17+$0x0], $0xffff;
	v61 =	vsub.f32 v57, v39;
	v47 =	vand.u32 $0x80000000, v42;
	vm11 =	vlt.f32 v42, $0.0e+00  }
0x16c: {  	v56 =	vld.idx.msk [tilespmem:v6+s17+$0x0], $0xffff;
	v34 =	vor.u32 v49, v0;
	vm12 =	vgt.f32 v42, $0.0e+00;
	v53 =	vand.u32 $0x7FFFFFFF, v51  }
0x16d: {  	v43 =	vld.idx.msk [tilespmem:v5+s17+$0x0], $0xffff;
	vm14 =	vgt.f32 v51, $0.0e+00;
	vm15 =	vmor vm13, vm15;
	v57 =	vand.u32 $0x7FFFFFFF, v42  }
0x16e: {  	[tilespmem:v14+s18+$0x0] =	vst.idx.add.f32.msk vm4, v63;
	v58 =	vand.u32 $0x80000000, v51;
	v59 =	vand.u32 $0x80000000, v36;
	v20 =	vmul.f32 $5.000000000e-01, v40  }
0x16f: {  	v33 =	vor.u32 v47, v0;
	[tilespmem:v15+s18+$0x0] =	vst.idx.add.f32.msk vm4, v63;
	v15 =	vmul.f32 $5.000000000e-01, v45;
	vm4 =	vmor vm12, vm11  }
0x170: {  	vm2 =	vgt.f32 v53, v21;
	v19 =	vmul.f32 $5.000000000e-01, v61;
	v55 =	vsel vm4, v33, v42;
	[tilespmem:v11+s18+$0x0] =	vst.idx.add.f32.msk vm3, v20  }
0x171: {  	vm10 =	vgt.f32 v36, $0.0e+00;
	vm9 =	vgt.f32 v57, v38;
	v16 =	vmul.f32 v55, v38;
	[tilespmem:v2+s18+$0x0] =	vst.idx.add.f32.msk vm1, v15  }
0x172: {  	vm11 =	vlt.f32 v36, $0.0e+00;
	v39 =	vor.u32 v59, v0;
	vm12 =	vlt.f32 v51, $0.0e+00;
	[tilespmem:v18+s16+$0x0] =	vst.idx.add.f32.msk vm5, v19  }
0x173: {  	v61 =	vsel vm15, v34, v35;
	vm4 =	vmor vm10, vm11;
	[tilespmem:v3+s18+$0x0] =	vst.idx.add.f32.msk vm3, v20;
	v60 =	vsub.f32 v16, v42  }
0x174: {  	v16 =	vmul.f32 v61, v23;
	v42 =	vsel vm4, v39, v36;
	vm4 =	vgt.f32 v52, v23  }
0x175: {  	v63 =	vand.u32 $0x7FFFFFFF, v36;
	v22 =	vsub.f32 v56, v54;
	vm0 =	vmor vm14, vm12;
	[tilespmem:v12+s16+$0x0] =	vst.idx.add.f32.msk vm5, v19  }
0x176: {  	vm13 =	vgt.f32 v63, v26;
	v62 =	vld.idx.msk [tilespmem:v18+s17+$0x0], $0xffff;
	v11 =	vmul.f32 $5.000000000e-01, v60;
	v16 =	vsub.f32 v16, v35  }
0x177: {  	v14 =	vsub.f32 v43, v44;
	v3 =	vand.u32 $0x80000000, v22;
	v31 =	vmul.f32 v42, v26;
	v45 =	vld.idx.msk [tilespmem:v12+s17+$0x0], $0xffff  }
0x178: {  	vm14 =	vlt.f32 v22, $0.0e+00;
	v47 =	vand.u32 $0x7FFFFFFF, v22;
	v16 =	vmul.f32 $5.000000000e-01, v16;
	[tilespmem:v30+s16+$0x0] =	vst.idx.add.f32.msk vm9, v11  }
0x179: {  	vm15 =	vgt.f32 v22, $0.0e+00;
	v19 =	vor.u32 v58, v0;
	v31 =	vsub.f32 v31, v36;
	[tilespmem:v29+s16+$0x0] =	vst.idx.add.f32.msk vm9, v11  }
0x17a: {  	v3 =	vor.u32 v3, v0;
	vm3 =	vmor vm15, vm14;
	v19 =	vsel vm0, v19, v51;
	[tilespmem:v24+s16+$0x0] =	vst.idx.add.f32.msk vm4, v16  }
0x17b: {  	v3 =	vsel vm3, v3, v22;
	v19 =	vmul.f32 v19, v21;
	v46 =	vmul.f32 $5.000000000e-01, v31;
	v49 =	vld.idx.msk [tilespmem:v30+s17+$0x0], $0xffff  }
0x17c: {  	v48 =	vand.u32 $0x80000000, v14;
	vm10 =	vgt.f32 v14, $0.0e+00;
	v3 =	vmul.f32 v3, v9;
	v50 =	vld.idx.msk [tilespmem:v29+s17+$0x0], $0xffff  }
0x17d: {  	v53 =	vand.u32 $0x7FFFFFFF, v14;
	vm0 =	vgt.f32 v47, v9;
	v19 =	vsub.f32 v19, v51;
	[tilespmem:v28+s16+$0x0] =	vst.idx.add.f32.msk vm13, v46  }
0x17e: {  	v3 =	vsub.f32 v3, v22;
	vm9 =	vlt.f32 v14, $0.0e+00;
	v17 =	vsub.f32 v62, v45;
	[tilespmem:v25+s16+$0x0] =	vst.idx.add.f32.msk vm4, v16  }
0x17f: {  	v11 =	vor.u32 v48, v0;
	vm11 =	vmor vm10, vm9;
	v52 =	vmul.f32 $5.000000000e-01, v19;
	[tilespmem:v27+s16+$0x0] =	vst.idx.add.f32.msk vm13, v46  }
0x180: {  	v3 =	vmul.f32 $5.000000000e-01, v3;
	v51 =	vsel vm11, v11, v14;
	vm12 =	vlt.f32 v17, $0.0e+00;
	v16 =	vld.idx.msk [tilespmem:v24+s17+$0x0], $0xffff  }
0x181: {  	v9 =	vmul.f32 v51, v8;
	v54 =	vand.u32 $0x80000000, v17;
	vm13 =	vgt.f32 v17, $0.0e+00;
	v59 =	vld.idx.msk [tilespmem:v25+s17+$0x0], $0xffff  }
0x182: {  	v2 =	vand.u32 $0x7FFFFFFF, v17;
	v55 =	vld.idx.msk [tilespmem:v27+s17+$0x0], $0xffff;
	v20 =	vor.u32 v54, v0;
	vm3 =	vmor vm13, vm12  }
0x183: {  	v56 =	vld.idx.msk [tilespmem:v28+s17+$0x0], $0xffff;
	v9 =	vsub.f32 v9, v14;
	v20 =	vsel vm3, v20, v17;
	v21 =	vsub.f32 v49, v50  }
0x184: {  	vm8 =	vgt.f32 v2, v32;
	vm3 =	vgt.f32 v53, v8;
	v57 =	vmul.f32 v20, v32  }
0x185: {  	v9 =	vmul.f32 $5.000000000e-01, v9;
	vm14 =	vgt.f32 v21, $0.0e+00;
	v58 =	vand.u32 $0x80000000, v21  }
0x186: {  	[tilespmem:v1+s18+$0x0] =	vst.idx.add.f32.msk vm1, v15;
	vm15 =	vlt.f32 v21, $0.0e+00;
	v8 =	vsub.f32 v57, v17;
	v1 =	vand.u32 $0x7FFFFFFF, v21  }
0x187: {  	[tilespmem:v6+s18+$0x0] =	vst.idx.add.f32.msk vm0, v3;
	v61 =	vsub.f32 v16, v59;
	v19 =	vor.u32 v58, v0;
	vm4 =	vmor vm14, vm15  }
0x188: {  	v14 =	vsub.f32 v56, v55;
	vm9 =	vgt.f32 v1, v38;
	v60 =	vsel vm4, v19, v21  }
0x189: {  	[tilespmem:v10+s18+$0x0] =	vst.idx.add.f32.msk vm0, v3;
	v8 =	vmul.f32 $5.000000000e-01, v8;
	v3 =	vand.u32 $0x80000000, v61;
	vm13 =	vlt.f32 v61, $0.0e+00  }
0x18a: {  	vm14 =	vgt.f32 v61, $0.0e+00;
	v63 =	vand.u32 $0x7FFFFFFF, v61;
	v2 =	vmul.f32 v60, v38  }
0x18b: {  	[tilespmem:v13+s18+$0x0] =	vst.idx.add.f32.msk vm2, v52;
	v1 =	vand.u32 $0x80000000, v14;
	vm10 =	vlt.f32 v14, $0.0e+00;
	vm11 =	vgt.f32 v14, $0.0e+00  }
0x18c: {  	[tilespmem:v7+s18+$0x0] =	vst.idx.add.f32.msk vm2, v52;
	v62 =	vand.u32 $0x7FFFFFFF, v14;
	v1 =	vor.u32 v1, v0;
	vm2 =	vmor vm11, vm10  }
0x18d: {  	v3 =	vor.u32 v3, v0;
	vm12 =	vgt.f32 v62, v26;
	v1 =	vsel vm2, v1, v14  }
0x18e: {  	[tilespmem:v5+s18+$0x0] =	vst.idx.add.f32.msk vm3, v9;
	v2 =	vsub.f32 v2, v21;
	vm2 =	vmor vm14, vm13;
	v1 =	vmul.f32 v1, v26  }
0x18f: {  	vm15 =	vgt.f32 v63, v23;
	[tilespmem:v4+s18+$0x0] =	vst.idx.add.f32.msk vm3, v9;
	v3 =	vsel vm2, v3, v61  }
0x190: {  	[tilespmem:v18+s18+$0x0] =	vst.idx.add.f32.msk vm8, v8;
	v2 =	vmul.f32 $5.000000000e-01, v2;
	v3 =	vmul.f32 v3, v23;
	v1 =	vsub.f32 v1, v14  }
0x191: {  	s4 =	sadd.s32 $0x1, s4;
	[tilespmem:v12+s18+$0x0] =	vst.idx.add.f32.msk vm8, v8  }
0x192: {  	p0 =	sne.s32 s4, $0xA;
	[tilespmem:v30+s18+$0x0] =	vst.idx.add.f32.msk vm9, v2;
	v3 =	vsub.f32 v3, v61;
	v1 =	vmul.f32 $5.000000000e-01, v1  }
.Ltmp2:
0x193: {  	[tilespmem:v29+s18+$0x0] =	vst.idx.add.f32.msk vm9, v2;
	(pc) =	sbr.rel @p0 .LBB2_2-.Ltmp2, $4  }
0x194: {  	v2 =	vmul.f32 $5.000000000e-01, v3;
	[tilespmem:v28+s18+$0x0] =	vst.idx.add.f32.msk vm12, v1  }
0x195: {  	[tilespmem:v27+s18+$0x0] =	vst.idx.add.f32.msk vm12, v1  }
0x196: {  	[tilespmem:v24+s18+$0x0] =	vst.idx.add.f32.msk vm15, v2  }
0x197: {  	[tilespmem:v25+s18+$0x0] =	vst.idx.add.f32.msk vm15, v2  }
0x198: {  	s4 =	simm.s32 $0x0;
	s1 =	rddreg [dreg:$0x7]  }
0x199: {  	[hbm4b:s1+s4] =	stream.linear.scatter [tilespmem:s16], [sflag:$0x5], $0x2710, $0x38;
	[tilespmem:$0x19A00] =	vst v63  }
0x19a: {  	s15 =	rddreg [dreg:$0x8]  }
0x19b: {  	[hbm4b:s15+s4] =	stream.linear.scatter [tilespmem:s18], [sflag:$0x5], $0x2710, $0x38;
	[tilespmem:$0x19A00] =	vst v63  }
.LBB2_8:
0x19c: {  	_ =	swait.ge [sflag:s20], $0x1F40  }
0x19d: {  	[sflag:s20] =	ssyncset.done $0x0  }
0x19e: {  	s1 =	sshllo.u32 s4, $0x1;
	[sflag:s20] =	ssyncadd.s32 $0xFFFFE0C0  }
0x19f: {  	s10 =	smul.u32 $0x3E8, s1;
	_ =	swait.ge [sflag:s20], $0x1F40  }
0x1a0: {  	[sflag:s20] =	ssyncset.done $0x0  }
0x1a1: {  	s11 =	sadd.s32 s0, s10;
	[sflag:s20] =	ssyncadd.s32 $0xFFFFE0C0  }
0x1a2: {  	[tilespmem:s21], [sflag:$0x2] =	stream.linear.gather [hbm4b:s11+s6], $0x1F40, $0x38;
	[tilespmem:$0x19A00] =	vst v63  }
0x1a3: {  	p0 =	seq.s32 s4, $0x0;
	s10 =	sadd.s32 s3, s10  }
0x1a4: {  	[tilespmem:s22], [sflag:$0x2] =	stream.linear.gather [hbm4b:s10+s6], $0x1F40, $0x38;
	[tilespmem:$0x19A00] =	vst v63  }
0x1a5: {  	s10 =	simm.s32 @!p0 $0x3  }
0x1a6: {  	_ =	swait.ge @!p0 [sflag:s10], $0x1F40  }
0x1a7: {  	[sflag:s10] =	ssyncset.done @!p0 $0x0  }
0x1a8: {  	[sflag:s10] =	ssyncadd.s32 @!p0 $0xFFFFE0C0  }
0x1a9: {  	_ =	swait.ge @!p0 [sflag:s10], $0x1F40  }
0x1aa: {  	[sflag:s10] =	ssyncset.done @!p0 $0x0  }
0x1ab: {  	s11 =	simm.s32 $0x9E20;
	[sflag:s10] =	ssyncadd.s32 @!p0 $0xFFFFE0C0  }
0x1ac: {  	v1 =	vld [tilespmem:s11+$0x10];
	_ =	sdelay $0x2  }
0x1ad: {  	v2 =	vld [tilespmem:s11+$0xFFFFFFF0]  }
0x1ae: {  	v3 =	vld [tilespmem:s11+$0xFFFFFFE0]  }
0x1af: {  	v4 =	vand.u32 $0x3FFF, v1  }
0x1b0: {  	v1 =	vshra.s32 v1, $0xE  }
0x1b1: {  	s13 =	simm.s32 $0xBDA0;
	v5 =	vld [tilespmem:s11+$0x0]  }
0x1b2: {  	v13 =	vld [tilespmem:s13+$0x10];
	v6 =	vand.u32 $0x3FFF, v2  }
0x1b3: {  	v17 =	vld [tilespmem:s13+$0xFFFFFFE0];
	v7 =	vand.u32 $0x3FFF, v3  }
0x1b4: {  	v2 =	vshra.s32 v2, $0xE;
	v8 =	vld.idx.msk [tilespmem:v4+s16+$0x0], $0xffff  }
0x1b5: {  	v3 =	vshra.s32 v3, $0xE;
	v9 =	vld.idx.msk [tilespmem:v1+s16+$0x0], $0xffff  }
0x1b6: {  	v18 =	vld [tilespmem:s13+$0xFFFFFFF0];
	v10 =	vand.u32 $0x3FFF, v5  }
0x1b7: {  	v5 =	vshra.s32 v5, $0xE;
	v11 =	vld.idx.msk [tilespmem:v6+s16+$0x0], $0xffff  }
0x1b8: {  	v12 =	vld.idx.msk [tilespmem:v7+s16+$0x0], $0xffff  }
0x1b9: {  	v15 =	vld.idx.msk [tilespmem:v2+s16+$0x0], $0xffff  }
0x1ba: {  	v14 =	vld.idx.msk [tilespmem:v3+s16+$0x0], $0xffff;
	v8 =	vsub.f32 v8, v9  }
0x1bb: {  	v16 =	vld.idx.msk [tilespmem:v10+s16+$0x0], $0xffff  }
0x1bc: {  	v9 =	vld.idx.msk [tilespmem:v5+s16+$0x0], $0xffff;
	v8 =	vmul.f32 v8, v13  }
0x1bd: {  	s14 =	simm.s32 $0x11C20;
	s15 =	simm.s32 $0x9E60;
	v19 =	vld [tilespmem:s13+$0x0]  }
0x1be: {  	[tilespmem:s14+$0x10] =	vst v8;
	v8 =	vsub.f32 v11, v15;
	v11 =	vld [tilespmem:s15+$0xFFFFFFF0]  }
0x1bf: {  	v20 =	vld.idx.msk [tilespmem:v4+s18+$0x0], $0xffff;
	v4 =	vsub.f32 v12, v14  }
0x1c0: {  	v12 =	vld.idx.msk [tilespmem:v1+s18+$0x0], $0xffff;
	v8 =	vmul.f32 v8, v18  }
0x1c1: {  	v1 =	vld [tilespmem:s15+$0x10];
	v9 =	vsub.f32 v16, v9;
	v4 =	vmul.f32 v4, v17  }
0x1c2: {  	v14 =	vld [tilespmem:s15+$0x0];
	[tilespmem:s14+$0xFFFFFFF0] =	vst v8  }
0x1c3: {  	v9 =	vmul.f32 v9, v19;
	[tilespmem:s14+$0xFFFFFFE0] =	vst v4;
	v4 =	vld [tilespmem:s15+$0xFFFFFFE0]  }
0x1c4: {  	v22 =	vld.idx.msk [tilespmem:v6+s18+$0x0], $0xffff  }
0x1c5: {  	[tilespmem:s14+$0x0] =	vst v9;
	v9 =	vld.idx.msk [tilespmem:v2+s18+$0x0], $0xffff  }
0x1c6: {  	v7 =	vld.idx.msk [tilespmem:v7+s18+$0x0], $0xffff;
	v15 =	vand.u32 $0x3FFF, v1  }
0x1c7: {  	v16 =	vld.idx.msk [tilespmem:v3+s18+$0x0], $0xffff;
	v21 =	vshra.s32 v1, $0xE  }
0x1c8: {  	v2 =	vshra.s32 v11, $0xE;
	v10 =	vld.idx.msk [tilespmem:v10+s18+$0x0], $0xffff  }
0x1c9: {  	s15 =	simm.s32 $0xBDE0;
	v1 =	vand.u32 $0x3FFF, v11;
	v23 =	vld.idx.msk [tilespmem:v5+s18+$0x0], $0xffff  }
0x1ca: {  	v8 =	vld [tilespmem:s15+$0x10]  }
0x1cb: {  	v12 =	vsub.f32 v20, v12;
	v6 =	vand.u32 $0x3FFF, v4;
	v24 =	vld.idx.msk [tilespmem:v15+s16+$0x0], $0xffff  }
0x1cc: {  	v5 =	vshra.s32 v4, $0xE;
	v11 =	vld.idx.msk [tilespmem:v21+s16+$0x0], $0xffff  }
0x1cd: {  	v12 =	vmul.f32 v12, v13;
	v4 =	vshra.s32 v14, $0xE;
	v26 =	vld.idx.msk [tilespmem:v2+s16+$0x0], $0xffff  }
0x1ce: {  	s14 =	simm.s32 $0x13BA0;
	v3 =	vand.u32 $0x3FFF, v14;
	v25 =	vld.idx.msk [tilespmem:v1+s16+$0x0], $0xffff  }
0x1cf: {  	[tilespmem:s14+$0x10] =	vst v12;
	v12 =	vsub.f32 v10, v23;
	v10 =	vld [tilespmem:s15+$0xFFFFFFE0]  }
0x1d0: {  	v7 =	vsub.f32 v7, v16;
	v14 =	vld.idx.msk [tilespmem:v6+s16+$0x0], $0xffff  }
0x1d1: {  	v63 =	vld.idx.msk [tilespmem:v5+s16+$0x0], $0xffff;
	v16 =	vsub.f32 v24, v11  }
0x1d2: {  	v9 =	vsub.f32 v22, v9;
	v7 =	vmul.f32 v7, v17;
	v13 =	vld.idx.msk [tilespmem:v4+s16+$0x0], $0xffff  }
0x1d3: {  	v11 =	vld.idx.msk [tilespmem:v3+s16+$0x0], $0xffff;
	v16 =	vmul.f32 v16, v8  }
0x1d4: {  	s10 =	simm.s32 $0x11C60;
	v17 =	vmul.f32 v9, v18;
	v9 =	vld [tilespmem:s15+$0xFFFFFFF0];
	[tilespmem:s14+$0xFFFFFFE0] =	vst v7  }
0x1d5: {  	v18 =	vmul.f32 v12, v19;
	v7 =	vld [tilespmem:s15+$0x0];
	[tilespmem:s10+$0x10] =	vst v16  }
0x1d6: {  	[tilespmem:s14+$0xFFFFFFF0] =	vst v17;
	v16 =	vsub.f32 v14, v63;
	v12 =	vld.idx.msk [tilespmem:v15+s18+$0x0], $0xffff  }
0x1d7: {  	s11 =	simm.s32 $0x40;
	s13 =	simm.s32 $0x9EA0;
	[tilespmem:s14+$0x0] =	vst v18;
	v15 =	vsub.f32 v25, v26;
	v14 =	vld.idx.msk [tilespmem:v21+s18+$0x0], $0xffff  }
.LBB2_9:
0x1d8: {  	v17 =	vld [tilespmem:s13+$0x10];
	v16 =	vmul.f32 v16, v10;
	v11 =	vsub.f32 v11, v13  }
0x1d9: {  	v13 =	vld [tilespmem:s13+$0xFFFFFFF0];
	v15 =	vmul.f32 v15, v9  }
0x1da: {  	s11 =	sadd.s32 $0x40, s11;
	v18 =	vld [tilespmem:s13+$0x0];
	[tilespmem:s10+$0xFFFFFFE0] =	vst v16;
	v11 =	vmul.f32 v11, v7  }
0x1db: {  	p0 =	slt.u32 s11, $0x1F00;
	v16 =	vld [tilespmem:s13+$0xFFFFFFE0];
	[tilespmem:s10+$0xFFFFFFF0] =	vst v15  }
0x1dc: {  	v15 =	vld.idx.msk [tilespmem:v6+s18+$0x0], $0xffff;
	[tilespmem:s10+$0x0] =	vst v11  }
0x1dd: {  	v19 =	vand.u32 $0x3FFF, v17;
	v11 =	vld.idx.msk [tilespmem:v5+s18+$0x0], $0xffff;
	v5 =	vsub.f32 v12, v14  }
0x1de: {  	v14 =	vshra.s32 v17, $0xE;
	v6 =	vshra.s32 v13, $0xE;
	v12 =	vld.idx.msk [tilespmem:v1+s18+$0x0], $0xffff;
	v1 =	vand.u32 $0x3FFF, v13  }
0x1df: {  	v13 =	vshra.s32 v18, $0xE;
	v17 =	vand.u32 $0x3FFF, v18;
	v18 =	vld.idx.msk [tilespmem:v2+s18+$0x0], $0xffff;
	v8 =	vmul.f32 v5, v8;
	v2 =	vmovc v6  }
0x1e0: {  	s14 =	sadd.s32 $0x40, s14;
	v5 =	vshra.s32 v16, $0xE;
	v6 =	vand.u32 $0x3FFF, v16;
	v16 =	vld.idx.msk [tilespmem:v3+s18+$0x0], $0xffff;
	v3 =	vmov v17  }
0x1e1: {  	v17 =	vld.idx.msk [tilespmem:v4+s18+$0x0], $0xffff;
	[tilespmem:s14+$0x10] =	vst v8;
	v4 =	vmov v13  }
0x1e2: {  	v13 =	vld.idx.msk [tilespmem:v19+s16+$0x0], $0xffff  }
0x1e3: {  	v8 =	vsub.f32 v15, v11;
	v20 =	vld.idx.msk [tilespmem:v14+s16+$0x0], $0xffff  }
0x1e4: {  	v15 =	vld.idx.msk [tilespmem:v1+s16+$0x0], $0xffff  }
0x1e5: {  	s15 =	sadd.s32 $0x40, s15;
	v10 =	vmul.f32 v8, v10;
	v11 =	vsub.f32 v12, v18;
	v21 =	vld.idx.msk [tilespmem:v6+s16+$0x0], $0xffff  }
0x1e6: {  	v8 =	vld [tilespmem:s15+$0x10]  }
0x1e7: {  	v9 =	vmul.f32 v11, v9;
	v12 =	vld.idx.msk [tilespmem:v5+s16+$0x0], $0xffff;
	[tilespmem:s14+$0xFFFFFFE0] =	vst v10;
	v10 =	vsub.f32 v16, v17  }
0x1e8: {  	v17 =	vld.idx.msk [tilespmem:v2+s16+$0x0], $0xffff  }
0x1e9: {  	v16 =	vsub.f32 v13, v20;
	v11 =	vld.idx.msk [tilespmem:v3+s16+$0x0], $0xffff;
	[tilespmem:s14+$0xFFFFFFF0] =	vst v9;
	v7 =	vmul.f32 v10, v7  }
0x1ea: {  	v13 =	vld.idx.msk [tilespmem:v4+s16+$0x0], $0xffff  }
.Ltmp3:
0x1eb: {  	v10 =	vld [tilespmem:s15+$0xFFFFFFE0];
	v18 =	vmul.f32 v16, v8;
	[tilespmem:s14+$0x0] =	vst v7;
	(pc) =	sbr.rel @p0 .LBB2_9-.Ltmp3, $4  }
0x1ec: {  	s10 =	sadd.s32 $0x40, s10;
	v9 =	vld [tilespmem:s15+$0xFFFFFFF0]  }
0x1ed: {  	v16 =	vsub.f32 v21, v12;
	v7 =	vld [tilespmem:s15+$0x0];
	[tilespmem:s10+$0x10] =	vst v18  }
0x1ee: {  	v15 =	vsub.f32 v15, v17;
	v12 =	vld.idx.msk [tilespmem:v19+s18+$0x0], $0xffff  }
0x1ef: {  	s13 =	sadd.s32 $0x40, s13;
	v14 =	vld.idx.msk [tilespmem:v14+s18+$0x0], $0xffff  }
0x1f0: {  	_ = 	snop  }
0x1f1: {  	v16 =	vmul.f32 v16, v10;
	_ =	sdelay $0x1  }
0x1f2: {  	v11 =	vsub.f32 v11, v13;
	v13 =	vmul.f32 v15, v9;
	[tilespmem:s10+$0xFFFFFFE0] =	vst v16  }
0x1f3: {  	v6 =	vld.idx.msk [tilespmem:v6+s18+$0x0], $0xffff  }
0x1f4: {  	v11 =	vmul.f32 v11, v7;
	[tilespmem:s10+$0xFFFFFFF0] =	vst v13;
	v5 =	vld.idx.msk [tilespmem:v5+s18+$0x0], $0xffff  }
0x1f5: {  	v1 =	vld.idx.msk [tilespmem:v1+s18+$0x0], $0xffff  }
0x1f6: {  	[tilespmem:s10+$0x0] =	vst v11;
	v2 =	vld.idx.msk [tilespmem:v2+s18+$0x0], $0xffff  }
0x1f7: {  	v3 =	vld.idx.msk [tilespmem:v3+s18+$0x0], $0xffff  }
0x1f8: {  	v4 =	vld.idx.msk [tilespmem:v4+s18+$0x0], $0xffff;
	_ =	sdelay $0x1  }
0x1f9: {  	v11 =	vsub.f32 v12, v14  }
0x1fa: {  	v5 =	vsub.f32 v6, v5  }
0x1fb: {  	v6 =	vmul.f32 v11, v8;
	v1 =	vsub.f32 v1, v2  }
0x1fc: {  	s15 =	sadd.s32 $0x40, s14;
	s11 =	smul.u32 $0x3E80, s4;
	v2 =	vmul.f32 v5, v10;
	v3 =	vsub.f32 v3, v4  }
0x1fd: {  	[tilespmem:s15+$0x10] =	vst v6;
	v1 =	vmul.f32 v1, v9  }
0x1fe: {  	s13 =	sadd.s32 s9, s11;
	[tilespmem:s15+$0xFFFFFFE0] =	vst v2;
	v2 =	vmul.f32 v3, v7  }
0x1ff: {  	s13 =	sshrl.u32 s13, $0x3;
	[tilespmem:s15+$0xFFFFFFF0] =	vst v1  }
0x200: {  	s14 =	sadd.s32 s5, s13;
	[tilespmem:s15+$0x0] =	vst v2;
	s15 =	sadd.s32 s12, s11  }
0x201: {  	[hbm4b:s14+s6] =	stream.linear.scatter [tilespmem:s24], [sflag:$0x3], $0x1F40, $0x38;
	[tilespmem:$0x19A00] =	vst v63  }
0x202: {  	s10 =	sshrl.u32 s15, $0x3  }
0x203: {  	s10 =	sadd.s32 s5, s10  }
0x204: {  	[hbm4b:s10+s6] =	stream.linear.scatter [tilespmem:s25], [sflag:$0x3], $0x1F40, $0x38;
	[tilespmem:$0x19A00] =	vst v63  }
0x205: {  	_ =	swait.ge [sflag:s23], $0x1F40  }
0x206: {  	[sflag:s23] =	ssyncset.done $0x0  }
0x207: {  	p0 =	seq.s32 s4, $0x9;
	[sflag:s23] =	ssyncadd.s32 $0xFFFFE0C0  }
0x208: {  	s10 =	sshrl.u32 @!p0 s11, $0x3;
	_ =	swait.ge [sflag:s23], $0x1F40  }
0x209: {  	s13 =	simm.s32 @!p0 $0x0;
	s10 =	sadd.s32 @!p0 $0x7D0, s10;
	[sflag:s23] =	ssyncset.done $0x0  }
0x20a: {  	s14 =	simm.s32 @!p0 $0x9E00;
	s11 =	sadd.s32 @!p0 s0, s10;
	[sflag:s23] =	ssyncadd.s32 $0xFFFFE0C0  }
0x20b: {  	[tilespmem:s14], [sflag:$0x1] =	stream.linear.gather @!p0 [hbm4b:s11+s13], $0x1F40, $0x38;
	[tilespmem:$0x19A00] =	vst v63  }
0x20c: {  	p1 =	seq.s32 @!p0 s4, $0x0;
	s10 =	sadd.s32 @!p0 s3, s10;
	s11 =	simm.s32 @!p0 $0xBD80  }
0x20d: {  	[tilespmem:s11], [sflag:$0x1] =	stream.linear.gather @!p0 [hbm4b:s10+s13], $0x1F40, $0x38;
	[tilespmem:$0x19A00] =	vst v63  }
0x20e: {  	p0 =	por p0, !p1  }
0x20f: {  	_ =	swait.ge @p0 [sflag:s29], $0x1F40  }
0x210: {  	[sflag:s29] =	ssyncset.done @p0 $0x0  }
0x211: {  	[sflag:s29] =	ssyncadd.s32 @p0 $0xFFFFE0C0  }
0x212: {  	_ =	swait.ge @p0 [sflag:s29], $0x1F40  }
0x213: {  	[sflag:s29] =	ssyncset.done @p0 $0x0  }
0x214: {  	s11 =	simm.s32 $0xDD20;
	[sflag:s29] =	ssyncadd.s32 @p0 $0xFFFFE0C0  }
0x215: {  	v1 =	vld [tilespmem:s11+$0x10];
	_ =	sdelay $0x2  }
0x216: {  	v2 =	vld [tilespmem:s11+$0xFFFFFFF0]  }
0x217: {  	v3 =	vld [tilespmem:s11+$0xFFFFFFE0]  }
0x218: {  	v4 =	vand.u32 $0x3FFF, v1  }
0x219: {  	v1 =	vshra.s32 v1, $0xE  }
0x21a: {  	s13 =	simm.s32 $0xFCA0;
	v5 =	vld [tilespmem:s11+$0x0]  }
0x21b: {  	v13 =	vld [tilespmem:s13+$0x10];
	v6 =	vand.u32 $0x3FFF, v2  }
0x21c: {  	v17 =	vld [tilespmem:s13+$0xFFFFFFE0];
	v7 =	vand.u32 $0x3FFF, v3  }
0x21d: {  	v2 =	vshra.s32 v2, $0xE;
	v8 =	vld.idx.msk [tilespmem:v4+s16+$0x0], $0xffff  }
0x21e: {  	v3 =	vshra.s32 v3, $0xE;
	v9 =	vld.idx.msk [tilespmem:v1+s16+$0x0], $0xffff  }
0x21f: {  	v18 =	vld [tilespmem:s13+$0xFFFFFFF0];
	v10 =	vand.u32 $0x3FFF, v5  }
0x220: {  	v5 =	vshra.s32 v5, $0xE;
	v11 =	vld.idx.msk [tilespmem:v6+s16+$0x0], $0xffff  }
0x221: {  	v12 =	vld.idx.msk [tilespmem:v7+s16+$0x0], $0xffff  }
0x222: {  	v15 =	vld.idx.msk [tilespmem:v2+s16+$0x0], $0xffff  }
0x223: {  	v14 =	vld.idx.msk [tilespmem:v3+s16+$0x0], $0xffff;
	v8 =	vsub.f32 v8, v9  }
0x224: {  	v16 =	vld.idx.msk [tilespmem:v10+s16+$0x0], $0xffff  }
0x225: {  	v9 =	vld.idx.msk [tilespmem:v5+s16+$0x0], $0xffff;
	v8 =	vmul.f32 v8, v13  }
0x226: {  	s15 =	simm.s32 $0xDD60;
	s14 =	simm.s32 $0x15B20;
	v19 =	vld [tilespmem:s13+$0x0]  }
0x227: {  	[tilespmem:s14+$0x10] =	vst v8;
	v8 =	vsub.f32 v11, v15;
	v11 =	vld [tilespmem:s15+$0xFFFFFFF0]  }
0x228: {  	v20 =	vld.idx.msk [tilespmem:v4+s18+$0x0], $0xffff;
	v4 =	vsub.f32 v12, v14  }
0x229: {  	v12 =	vld.idx.msk [tilespmem:v1+s18+$0x0], $0xffff;
	v8 =	vmul.f32 v8, v18  }
0x22a: {  	v1 =	vld [tilespmem:s15+$0x10];
	v9 =	vsub.f32 v16, v9;
	v4 =	vmul.f32 v4, v17  }
0x22b: {  	v14 =	vld [tilespmem:s15+$0x0];
	[tilespmem:s14+$0xFFFFFFF0] =	vst v8  }
0x22c: {  	v9 =	vmul.f32 v9, v19;
	[tilespmem:s14+$0xFFFFFFE0] =	vst v4;
	v4 =	vld [tilespmem:s15+$0xFFFFFFE0]  }
0x22d: {  	v22 =	vld.idx.msk [tilespmem:v6+s18+$0x0], $0xffff  }
0x22e: {  	[tilespmem:s14+$0x0] =	vst v9;
	v9 =	vld.idx.msk [tilespmem:v2+s18+$0x0], $0xffff  }
0x22f: {  	v7 =	vld.idx.msk [tilespmem:v7+s18+$0x0], $0xffff;
	v15 =	vand.u32 $0x3FFF, v1  }
0x230: {  	v16 =	vld.idx.msk [tilespmem:v3+s18+$0x0], $0xffff;
	v21 =	vshra.s32 v1, $0xE  }
0x231: {  	v2 =	vshra.s32 v11, $0xE;
	v10 =	vld.idx.msk [tilespmem:v10+s18+$0x0], $0xffff  }
0x232: {  	s15 =	simm.s32 $0xFCE0;
	v1 =	vand.u32 $0x3FFF, v11;
	v23 =	vld.idx.msk [tilespmem:v5+s18+$0x0], $0xffff  }
0x233: {  	v8 =	vld [tilespmem:s15+$0x10]  }
0x234: {  	v12 =	vsub.f32 v20, v12;
	v6 =	vand.u32 $0x3FFF, v4;
	v24 =	vld.idx.msk [tilespmem:v15+s16+$0x0], $0xffff  }
0x235: {  	v5 =	vshra.s32 v4, $0xE;
	v11 =	vld.idx.msk [tilespmem:v21+s16+$0x0], $0xffff  }
0x236: {  	v12 =	vmul.f32 v12, v13;
	v4 =	vshra.s32 v14, $0xE;
	v26 =	vld.idx.msk [tilespmem:v2+s16+$0x0], $0xffff  }
0x237: {  	s14 =	simm.s32 $0x17AA0;
	v3 =	vand.u32 $0x3FFF, v14;
	v25 =	vld.idx.msk [tilespmem:v1+s16+$0x0], $0xffff  }
0x238: {  	[tilespmem:s14+$0x10] =	vst v12;
	v12 =	vsub.f32 v10, v23;
	v10 =	vld [tilespmem:s15+$0xFFFFFFE0]  }
0x239: {  	v7 =	vsub.f32 v7, v16;
	v14 =	vld.idx.msk [tilespmem:v6+s16+$0x0], $0xffff  }
0x23a: {  	v63 =	vld.idx.msk [tilespmem:v5+s16+$0x0], $0xffff;
	v16 =	vsub.f32 v24, v11  }
0x23b: {  	v9 =	vsub.f32 v22, v9;
	v7 =	vmul.f32 v7, v17;
	v13 =	vld.idx.msk [tilespmem:v4+s16+$0x0], $0xffff  }
0x23c: {  	v11 =	vld.idx.msk [tilespmem:v3+s16+$0x0], $0xffff;
	v16 =	vmul.f32 v16, v8  }
0x23d: {  	s10 =	simm.s32 $0x15B60;
	v17 =	vmul.f32 v9, v18;
	v9 =	vld [tilespmem:s15+$0xFFFFFFF0];
	[tilespmem:s14+$0xFFFFFFE0] =	vst v7  }
0x23e: {  	v18 =	vmul.f32 v12, v19;
	v7 =	vld [tilespmem:s15+$0x0];
	[tilespmem:s10+$0x10] =	vst v16  }
0x23f: {  	[tilespmem:s14+$0xFFFFFFF0] =	vst v17;
	v16 =	vsub.f32 v14, v63;
	v12 =	vld.idx.msk [tilespmem:v15+s18+$0x0], $0xffff  }
0x240: {  	s11 =	simm.s32 $0x40;
	s13 =	simm.s32 $0xDDA0;
	[tilespmem:s14+$0x0] =	vst v18;
	v15 =	vsub.f32 v25, v26;
	v14 =	vld.idx.msk [tilespmem:v21+s18+$0x0], $0xffff  }
.LBB2_11:
0x241: {  	v17 =	vld [tilespmem:s13+$0x10];
	v16 =	vmul.f32 v16, v10;
	v11 =	vsub.f32 v11, v13  }
0x242: {  	v13 =	vld [tilespmem:s13+$0xFFFFFFF0];
	v15 =	vmul.f32 v15, v9  }
0x243: {  	s11 =	sadd.s32 $0x40, s11;
	v18 =	vld [tilespmem:s13+$0x0];
	[tilespmem:s10+$0xFFFFFFE0] =	vst v16;
	v11 =	vmul.f32 v11, v7  }
0x244: {  	p0 =	slt.u32 s11, $0x1F00;
	v16 =	vld [tilespmem:s13+$0xFFFFFFE0];
	[tilespmem:s10+$0xFFFFFFF0] =	vst v15  }
0x245: {  	v15 =	vld.idx.msk [tilespmem:v6+s18+$0x0], $0xffff;
	[tilespmem:s10+$0x0] =	vst v11  }
0x246: {  	v19 =	vand.u32 $0x3FFF, v17;
	v11 =	vld.idx.msk [tilespmem:v5+s18+$0x0], $0xffff;
	v5 =	vsub.f32 v12, v14  }
0x247: {  	v14 =	vshra.s32 v17, $0xE;
	v6 =	vshra.s32 v13, $0xE;
	v12 =	vld.idx.msk [tilespmem:v1+s18+$0x0], $0xffff;
	v1 =	vand.u32 $0x3FFF, v13  }
0x248: {  	v13 =	vshra.s32 v18, $0xE;
	v17 =	vand.u32 $0x3FFF, v18;
	v18 =	vld.idx.msk [tilespmem:v2+s18+$0x0], $0xffff;
	v8 =	vmul.f32 v5, v8;
	v2 =	vmovc v6  }
0x249: {  	s14 =	sadd.s32 $0x40, s14;
	v5 =	vshra.s32 v16, $0xE;
	v6 =	vand.u32 $0x3FFF, v16;
	v16 =	vld.idx.msk [tilespmem:v3+s18+$0x0], $0xffff;
	v3 =	vmov v17  }
0x24a: {  	v17 =	vld.idx.msk [tilespmem:v4+s18+$0x0], $0xffff;
	[tilespmem:s14+$0x10] =	vst v8;
	v4 =	vmov v13  }
0x24b: {  	v13 =	vld.idx.msk [tilespmem:v19+s16+$0x0], $0xffff  }
0x24c: {  	v8 =	vsub.f32 v15, v11;
	v20 =	vld.idx.msk [tilespmem:v14+s16+$0x0], $0xffff  }
0x24d: {  	v15 =	vld.idx.msk [tilespmem:v1+s16+$0x0], $0xffff  }
0x24e: {  	s15 =	sadd.s32 $0x40, s15;
	v10 =	vmul.f32 v8, v10;
	v11 =	vsub.f32 v12, v18;
	v21 =	vld.idx.msk [tilespmem:v6+s16+$0x0], $0xffff  }
0x24f: {  	v8 =	vld [tilespmem:s15+$0x10]  }
0x250: {  	v9 =	vmul.f32 v11, v9;
	v12 =	vld.idx.msk [tilespmem:v5+s16+$0x0], $0xffff;
	[tilespmem:s14+$0xFFFFFFE0] =	vst v10;
	v10 =	vsub.f32 v16, v17  }
0x251: {  	v17 =	vld.idx.msk [tilespmem:v2+s16+$0x0], $0xffff  }
0x252: {  	v16 =	vsub.f32 v13, v20;
	v11 =	vld.idx.msk [tilespmem:v3+s16+$0x0], $0xffff;
	[tilespmem:s14+$0xFFFFFFF0] =	vst v9;
	v7 =	vmul.f32 v10, v7  }
0x253: {  	v13 =	vld.idx.msk [tilespmem:v4+s16+$0x0], $0xffff  }
.Ltmp4:
0x254: {  	v10 =	vld [tilespmem:s15+$0xFFFFFFE0];
	v18 =	vmul.f32 v16, v8;
	[tilespmem:s14+$0x0] =	vst v7;
	(pc) =	sbr.rel @p0 .LBB2_11-.Ltmp4, $4  }
0x255: {  	s10 =	sadd.s32 $0x40, s10;
	v9 =	vld [tilespmem:s15+$0xFFFFFFF0]  }
0x256: {  	v16 =	vsub.f32 v21, v12;
	v7 =	vld [tilespmem:s15+$0x0];
	[tilespmem:s10+$0x10] =	vst v18  }
0x257: {  	v15 =	vsub.f32 v15, v17;
	v12 =	vld.idx.msk [tilespmem:v19+s18+$0x0], $0xffff  }
0x258: {  	s13 =	sadd.s32 $0x40, s13;
	v14 =	vld.idx.msk [tilespmem:v14+s18+$0x0], $0xffff  }
0x259: {  	_ = 	snop  }
0x25a: {  	v16 =	vmul.f32 v16, v10;
	_ =	sdelay $0x1  }
0x25b: {  	v11 =	vsub.f32 v11, v13;
	v61 =	vmul.f32 v15, v9;
	[tilespmem:s10+$0xFFFFFFE0] =	vst v16  }
0x25c: {  	v6 =	vld.idx.msk [tilespmem:v6+s18+$0x0], $0xffff  }
0x25d: {  	v11 =	vmul.f32 v11, v7;
	[tilespmem:s10+$0xFFFFFFF0] =	vst v61;
	v5 =	vld.idx.msk [tilespmem:v5+s18+$0x0], $0xffff  }
0x25e: {  	v1 =	vld.idx.msk [tilespmem:v1+s18+$0x0], $0xffff  }
0x25f: {  	[tilespmem:s10+$0x0] =	vst v11;
	v2 =	vld.idx.msk [tilespmem:v2+s18+$0x0], $0xffff  }
0x260: {  	v3 =	vld.idx.msk [tilespmem:v3+s18+$0x0], $0xffff  }
0x261: {  	v4 =	vld.idx.msk [tilespmem:v4+s18+$0x0], $0xffff;
	_ =	sdelay $0x1  }
0x262: {  	v62 =	vsub.f32 v12, v14  }
0x263: {  	v5 =	vsub.f32 v6, v5  }
0x264: {  	v63 =	vmul.f32 v62, v8;
	v1 =	vsub.f32 v1, v2  }
0x265: {  	s14 =	sadd.s32 $0x40, s14;
	s1 =	smul.u32 $0x1F40, s1;
	v2 =	vmul.f32 v5, v10;
	v3 =	vsub.f32 v3, v4  }
0x266: {  	s4 =	sadd.s32 $0x1, s4;
	[tilespmem:s14+$0x10] =	vst v63;
	v1 =	vmul.f32 v1, v9  }
0x267: {  	p0 =	sne.s32 s4, $0xA;
	s11 =	sadd.s32 s9, s1;
	[tilespmem:s14+$0xFFFFFFE0] =	vst v2;
	v2 =	vmul.f32 v3, v7  }
.Ltmp5:
0x268: {  	s1 =	sadd.s32 s12, s1;
	s11 =	sshrl.u32 s11, $0x3;
	[tilespmem:s14+$0xFFFFFFF0] =	vst v1;
	(pc) =	sbr.rel @p0 .LBB2_8-.Ltmp5, $4  }
0x269: {  	s1 =	sshrl.u32 s1, $0x3;
	s15 =	sadd.s32 s5, s11;
	[tilespmem:s14+$0x0] =	vst v2  }
0x26a: {  	[hbm4b:s15+s6] =	stream.linear.scatter [tilespmem:s26], [sflag:$0x4], $0x1F40, $0x38;
	[tilespmem:$0x19A00] =	vst v63  }
0x26b: {  	s1 =	sadd.s32 s5, s1  }
0x26c: {  	[hbm4b:s1+s6] =	stream.linear.scatter [tilespmem:s28], [sflag:$0x4], $0x1F40, $0x38;
	[tilespmem:$0x19A00] =	vst v63  }
0x26d: {  	_ =	swait.ge [sflag:s19], $0x1F40  }
0x26e: {  	[sflag:s19] =	ssyncset.done $0x0  }
0x26f: {  	[sflag:s19] =	ssyncadd.s32 $0xFFFFE0C0  }
0x270: {  	_ =	swait.ge [sflag:s19], $0x1F40  }
0x271: {  	[sflag:s19] =	ssyncset.done $0x0  }
0x272: {  	[sflag:s19] =	ssyncadd.s32 $0xFFFFE0C0  }
0x273: {  	_ =	swait.ge [sflag:s29], $0x1F40  }
0x274: {  	[sflag:s29] =	ssyncset.done $0x0  }
0x275: {  	[sflag:s29] =	ssyncadd.s32 $0xFFFFE0C0  }
0x276: {  	_ =	swait.ge [sflag:s29], $0x1F40  }
0x277: {  	[sflag:s29] =	ssyncset.done $0x0  }
0x278: {  	[sflag:s29] =	ssyncadd.s32 $0xFFFFE0C0  }
0x279: {  	_ =	swait.ge [sflag:s30], $0x2710  }
0x27a: {  	[sflag:s30] =	ssyncset.done $0x0  }
0x27b: {  	[sflag:s30] =	ssyncadd.s32 $0xFFFFD8F0  }
0x27c: {  	_ =	swait.ge [sflag:s30], $0x2710  }
0x27d: {  	s31 =	sadd.s32 $0x1, s31;
	s1 =	rddreg [dreg:$0x9]  }
0x27e: {  	p0 =	sne.s32 s31, s1  }
.Ltmp6:
0x27f: {  	_ = 	snop;
	(pc) =	sbr.rel @p0 .LBB2_1-.Ltmp6, $3  }
0x280: {  	_ =	sdelay $0x1  }
0x281: {  	[sflag:s30] =	ssyncset.done $0x0  }
0x282: {  	[sflag:s30] =	ssyncadd.s32 $0xFFFFD8F0  }
0x283: {  	_ =	sfence.sel $0x180000  }
0x284: {  	[bflag:$0x0] =	sbarrier.arrive $0xFFFF  }
0x285: {  	_ =	strace $0x90000047  }
0x286: {  	s0 =	stileid.u32;
	[bflag:$0x2] =	sbarrier.arrive $0xFFFF  }
0x287: {  	p0 =	sne.s32 s0, $0x0;
	s0 =	rddreg [dreg:$0x6]  }
0x288: {  	s0 =	sadd.s32 @!p0 $0x100000, s0  }
0x289: {  	[sflag:s0] =	ssyncadd.tile.s32 @!p0 $0x1;
	_ =	shalt  }
.Lfunc_end2:
_tile_overlayer_lowered:
.L_overlay_start_2:
0x28a: {  	(tag) =	ssettag $0x2  }
0x28b: {  	s0 =	rddreg [dreg:$0x0];
	s2 =	stileid.u32  }
0x28c: {  	s1 =	rddreg [dreg:$0x1];
	p0 =	sne.s32 s2, $0x0  }
0x28d: {  	s3 =	rddreg [dreg:$0x2];
	[bflag:$0x3] =	sbarrier.arrive $0xFFFF;
	s2 =	simm.s32 @!p0 $0x1C06  }
0x28e: {  	[timem:s3], [sflag:s2] =	dma.local @!p0 [hbm:s0], s1  }
0x28f: {  	s0 =	simm.s32 @!p0 $0x6  }
0x290: {  	_ =	swait.ge @!p0 [sflag:s0], s1  }
0x291: {  	s1 =	ssub.s32 @!p0 $0x0, s1;
	[sflag:s0] =	ssyncset.done @!p0 $0x0  }
0x292: {  	[sflag:s0] =	ssyncadd.s32 @!p0 s1  }
0x293: {  	[bflag:$0x3] =	sbarrier.arrive $0xFFFF  }
0x294: {  	_ =	shalt  }

</sc_bundles>
